<compile_context>
chip_gen: v7x
topology: tpu7x:2x2x1
jax: 0.10.2.dev20260603
libtpu: 0.0.44.dev20260713+nightly
codegen_flags: <defaults>
</compile_context>

<pallas_src>
import functools

import jax
import jax.numpy as jnp
from jax import lax
from jax.experimental import pallas as pl
from jax.experimental.pallas import tpu as pltpu
from jax.experimental.pallas import tpu_sc as plsc

B = 16384
D = 128
NUM_REL = 1000

_info = plsc.get_sparse_core_info()
NC, NS, L = _info.num_cores, _info.num_subcores, _info.num_lanes
NW = NC * NS
B_PER_W = B // NW
CHUNK = 128
N_CHUNKS = B_PER_W // CHUNK
GROUPS = CHUNK // L
DSL = D // L


def _sc_kernel():
    mesh = plsc.VectorSubcoreMesh(core_axis_name="c", subcore_axis_name="s")

    @functools.partial(
        pl.kernel,
        mesh=mesh,
        out_type=jax.ShapeDtypeStruct((B,), jnp.float32),
        scratch_types=[
            pltpu.VMEM((B_PER_W,), jnp.int32),
            pltpu.VMEM((2, CHUNK, D), jnp.float32),
            pltpu.VMEM((2, CHUNK, D), jnp.float32),
            pltpu.VMEM((2, CHUNK, D), jnp.float32),
            pltpu.VMEM((2, CHUNK), jnp.float32),
            pltpu.VMEM_SHARED((NUM_REL, D), jnp.float32),
            pltpu.SemaphoreType.DMA,
            pltpu.SemaphoreType.DMA,
            pltpu.SemaphoreType.DMA,
            pltpu.SemaphoreType.DMA,
            pltpu.SemaphoreType.DMA,
            pltpu.SemaphoreType.DMA,
        ],
    )
    def k(src_hbm, ids_hbm, dst_hbm, table_hbm, out_hbm,
          idx_v, rel_v, src_v, dst_v, out_v, table_sh,
          gs0, ss0, ds0, gs1, ss1, ds1):
        wid = lax.axis_index("s") * NC + lax.axis_index("c")
        sid = lax.axis_index("s")
        base = wid * B_PER_W
        lanes = lax.iota(jnp.int32, L)
        sems = [(gs0, ss0, ds0), (gs1, ss1, ds1)]

        dnums = lax.GatherDimensionNumbers(
            offset_dims=(), collapsed_slice_dims=(0,), start_index_map=(0,))

        def lane_perm(x, perm):
            return lax.gather(
                x, perm[:, None], dimension_numbers=dnums, slice_sizes=(1,),
                mode=lax.GatherScatterMode.PROMISE_IN_BOUNDS)

        def lane_sum(x):
            for m in (8, 4, 2, 1):
                x = x + lane_perm(x, jnp.bitwise_xor(lanes, m))
            return x

        def fire_linear(c):
            bb = c % 2
            _, s, d = sems[bb]
            rb = base + c * CHUNK
            return (
                pltpu.async_copy(src_hbm.at[pl.ds(rb, CHUNK)],
                                 src_v.at[bb], s),
                pltpu.async_copy(dst_hbm.at[pl.ds(rb, CHUNK)],
                                 dst_v.at[bb], d),
            )

        def fire_gather(c):
            bb = c % 2
            return pltpu.async_copy(
                table_sh.at[idx_v.at[pl.ds(c * CHUNK, CHUNK)]],
                rel_v.at[bb], sems[bb][0])

        lin0 = fire_linear(0)
        pltpu.sync_copy(ids_hbm.at[pl.ds(base, B_PER_W)], idx_v)

        @pl.when(sid < 15)
        def _():
            rslab = sid * 64
            pltpu.sync_copy(table_hbm.at[pl.ds(rslab, 64)],
                            table_sh.at[pl.ds(rslab, 64)])

        @pl.when(sid == 15)
        def _():
            pltpu.sync_copy(table_hbm.at[pl.ds(960, 40)],
                            table_sh.at[pl.ds(960, 40)])

        plsc.subcore_barrier()
        inflight = (fire_gather(0),) + lin0

        for c in range(N_CHUNKS):
            bb = c % 2
            nxt = None
            if c + 1 < N_CHUNKS:
                nxt = (fire_gather(c + 1),) + fire_linear(c + 1)
            for h in inflight:
                h.wait()
            inflight = nxt

            def group_body(g, _):
                r0 = g * L

                def row_body(i, res):
                    r = r0 + i
                    acc0 = acc1 = None
                    for j in range(DSL):
                        sl = pl.ds(j * L, L)
                        p = (src_v[bb, r, sl]
                             * rel_v[bb, r, sl]
                             * dst_v[bb, r, sl])
                        if j % 2 == 0:
                            acc0 = p if acc0 is None else acc0 + p
                        else:
                            acc1 = p if acc1 is None else acc1 + p
                    tot = lane_sum(acc0 + acc1)
                    return jnp.where(lanes == i, tot, res)

                res = lax.fori_loop(0, L, row_body,
                                    jnp.zeros((L,), jnp.float32))
                out_v[bb, pl.ds(r0, L)] = res
                return 0

            lax.fori_loop(0, GROUPS, group_body, 0)
            pltpu.sync_copy(out_v.at[bb],
                            out_hbm.at[pl.ds(base + c * CHUNK, CHUNK)])

    return k


_scorer = _sc_kernel()


@jax.jit
def kernel(src_emb, rel_ids, dst_emb, rel_emb_table):
    ids = rel_ids.astype(jnp.int32)
    return _scorer(src_emb, ids, dst_emb, rel_emb_table)

# --- scband reference (transcript-rebuilt; emitter-appended) ---
"""Pipeline reference for scband-dist-mult-scorer-22419729285498 (READ-ONLY COPY).

The authoritative reference and input builder live on the scoring server;
editing this copy changes nothing except your own understanding.
"""

import jax, jax.numpy as jnp
import numpy as np

B = 16384
NUM_REL = 1000
REL_DIM = 128

def setup_inputs(seed: int = 0) -> dict:
    key = jax.random.key(seed)
    k1, k2, k3, k4 = jax.random.split(key, 4)
    src_emb = jax.random.normal(k1, (B, REL_DIM), dtype=jnp.float32)
    dst_emb = jax.random.normal(k2, (B, REL_DIM), dtype=jnp.float32)
    rel_ids = jax.random.randint(k3, (B,), 0, NUM_REL, dtype=jnp.int64 if jax.config.jax_enable_x64 else jnp.int32)
    # Xavier uniform init for relation embedding table [num_rel, rel_dim]
    limit = float(np.sqrt(6.0 / (NUM_REL + REL_DIM)))
    rel_emb_table = jax.random.uniform(k4, (NUM_REL, REL_DIM), dtype=jnp.float32, minval=-limit, maxval=limit)
    return {"src_emb": src_emb, "rel_ids": rel_ids, "dst_emb": dst_emb, "rel_emb_table": rel_emb_table}

def reference(src_emb, rel_ids, dst_emb, rel_emb_table):
    # Embedding lookup: gather relation embeddings by id
    rel_emb = jnp.take(rel_emb_table, rel_ids, axis=0)
    # DistMult score: sum over elementwise triple product
    score = jnp.sum(src_emb * rel_emb * dst_emb, axis=-1)
    return score

if __name__ == "__main__":
    import jax
    _d = setup_inputs()
    print(jax.jit(kernel)(*tuple(_d.values())))

</pallas_src>

<mosaic_0001>
#map = affine_map<(d0, d1) -> (0, 0)>
#map1 = affine_map<(d0, d1) -> (0)>
module attributes {stable_mosaic.version = 14 : i64} {
  func.func @k(%arg0: i32, %arg1: i32, %arg2: memref<16384x128xf32, #tpu.memory_space<hbm>>, %arg3: memref<16384xi32, #tpu.memory_space<hbm>>, %arg4: memref<16384x128xf32, #tpu.memory_space<hbm>>, %arg5: memref<1000x128xf32, #tpu.memory_space<hbm>>, %arg6: memref<16384xf32, #tpu.memory_space<hbm>>, %arg7: memref<512xi32, #tpu.memory_space<vmem>>, %arg8: memref<2x128x128xf32, #tpu.memory_space<vmem>>, %arg9: memref<2x128x128xf32, #tpu.memory_space<vmem>>, %arg10: memref<2x128x128xf32, #tpu.memory_space<vmem>>, %arg11: memref<2x128xf32, #tpu.memory_space<vmem>>, %arg12: memref<1000x128xf32, #tpu.memory_space<vmem_shared>>, %arg13: memref<!tpu.dma_semaphore, #tpu.memory_space<semaphore_mem>>, %arg14: memref<!tpu.dma_semaphore, #tpu.memory_space<semaphore_mem>>, %arg15: memref<!tpu.dma_semaphore, #tpu.memory_space<semaphore_mem>>, %arg16: memref<!tpu.dma_semaphore, #tpu.memory_space<semaphore_mem>>, %arg17: memref<!tpu.dma_semaphore, #tpu.memory_space<semaphore_mem>>, %arg18: memref<!tpu.dma_semaphore, #tpu.memory_space<semaphore_mem>>) attributes {dimension_semantics = [#tpu.dimension_semantics<core_parallel>, #tpu.dimension_semantics<subcore_parallel>], iteration_bounds = array<i64: 2, 16>, scalar_prefetch = 0 : i64, scratch_operands = 12 : i64, tpu.core_type = #tpu.core_type<sc_vector_subcore>, window_params = [{transform_indices = #map}, {transform_indices = #map1}, {transform_indices = #map}, {transform_indices = #map}, {transform_indices = #map1}]} {
    %mul3A = arith.constant 2 : i32
    %mul3A_0 = arith.muli %arg1, %mul3A : i32
    %add3A = arith.addi %mul3A_0, %arg0 : i32
    %mul3A_1 = arith.constant 512 : i32
    %mul3A_2 = arith.muli %add3A, %mul3A_1 : i32
    %iota3A = tpu.iota {dimensions = array<i32: 0>} : vector<16xi32>
    %add3A_3 = arith.constant 0 : i32
    %add3A_4 = arith.addi %mul3A_2, %add3A_3 : i32
    %dma_start3A = arith.constant 0 : i32
    %dma_start3A_5 = arith.constant 0 : i32
    %dma_start3A_6 = arith.constant 0 : i32
    %dma_start3A_7 = tpu.memref_slice %arg9[%dma_start3A, %dma_start3A_5, %dma_start3A_6] : memref<2x128x128xf32, #tpu.memory_space<vmem>> -> memref<1x128x128xf32, #tpu.memory_space<vmem>>
    %dma_start3A_8 = tpu.memref_squeeze %dma_start3A_7 : memref<1x128x128xf32, #tpu.memory_space<vmem>> -> memref<128x128xf32, #tpu.memory_space<vmem>>
    %dma_start3A_9 = arith.constant 0 : i32
    %dma_start3A_10 = tpu.memref_slice %arg2[%add3A_4, %dma_start3A_9] : memref<16384x128xf32, #tpu.memory_space<hbm>> -> memref<128x128xf32, #tpu.memory_space<hbm>>
    %dma_start3A_11 = arith.constant 0 : i32
    %dma_start3A_12 = arith.constant 0 : i32
    %dma_start3A_13 = tpu.memref_slice %arg9[%dma_start3A, %dma_start3A_11, %dma_start3A_12] : memref<2x128x128xf32, #tpu.memory_space<vmem>> -> memref<1x128x128xf32, #tpu.memory_space<vmem>>
    %dma_start3A_14 = tpu.memref_squeeze %dma_start3A_13 : memref<1x128x128xf32, #tpu.memory_space<vmem>> -> memref<128x128xf32, #tpu.memory_space<vmem>>
    %dma_start3A_15 = arith.constant 0 : i32
    %dma_start3A_16 = tpu.memref_slice %arg2[%add3A_4, %dma_start3A_15] : memref<16384x128xf32, #tpu.memory_space<hbm>> -> memref<128x128xf32, #tpu.memory_space<hbm>>
    tpu.enqueue_dma source(%dma_start3A_16 : memref<128x128xf32, #tpu.memory_space<hbm>>) target(%dma_start3A_14 : memref<128x128xf32, #tpu.memory_space<vmem>>) target_semaphore(%arg14 : memref<!tpu.dma_semaphore, #tpu.memory_space<semaphore_mem>>)
    %dma_start3A_17 = arith.constant 0 : i32
    %dma_start3A_18 = arith.constant 0 : i32
    %dma_start3A_19 = arith.constant 0 : i32
    %dma_start3A_20 = tpu.memref_slice %arg10[%dma_start3A_17, %dma_start3A_18, %dma_start3A_19] : memref<2x128x128xf32, #tpu.memory_space<vmem>> -> memref<1x128x128xf32, #tpu.memory_space<vmem>>
    %dma_start3A_21 = tpu.memref_squeeze %dma_start3A_20 : memref<1x128x128xf32, #tpu.memory_space<vmem>> -> memref<128x128xf32, #tpu.memory_space<vmem>>
    %dma_start3A_22 = arith.constant 0 : i32
    %dma_start3A_23 = tpu.memref_slice %arg4[%add3A_4, %dma_start3A_22] : memref<16384x128xf32, #tpu.memory_space<hbm>> -> memref<128x128xf32, #tpu.memory_space<hbm>>
    %dma_start3A_24 = arith.constant 0 : i32
    %dma_start3A_25 = arith.constant 0 : i32
    %dma_start3A_26 = tpu.memref_slice %arg10[%dma_start3A_17, %dma_start3A_24, %dma_start3A_25] : memref<2x128x128xf32, #tpu.memory_space<vmem>> -> memref<1x128x128xf32, #tpu.memory_space<vmem>>
    %dma_start3A_27 = tpu.memref_squeeze %dma_start3A_26 : memref<1x128x128xf32, #tpu.memory_space<vmem>> -> memref<128x128xf32, #tpu.memory_space<vmem>>
    %dma_start3A_28 = arith.constant 0 : i32
    %dma_start3A_29 = tpu.memref_slice %arg4[%add3A_4, %dma_start3A_28] : memref<16384x128xf32, #tpu.memory_space<hbm>> -> memref<128x128xf32, #tpu.memory_space<hbm>>
    tpu.enqueue_dma source(%dma_start3A_29 : memref<128x128xf32, #tpu.memory_space<hbm>>) target(%dma_start3A_27 : memref<128x128xf32, #tpu.memory_space<vmem>>) target_semaphore(%arg15 : memref<!tpu.dma_semaphore, #tpu.memory_space<semaphore_mem>>)
    "tpu.region"() ({
      %run_scoped3A_341 = tpu.sem_alloc : memref<!tpu.dma_semaphore, #tpu.memory_space<semaphore_mem>>
      %dma_start3A_342 = tpu.memref_slice %arg3[%mul3A_2] : memref<16384xi32, #tpu.memory_space<hbm>> -> memref<512xi32, #tpu.memory_space<hbm>>
      %dma_start3A_343 = tpu.memref_slice %arg3[%mul3A_2] : memref<16384xi32, #tpu.memory_space<hbm>> -> memref<512xi32, #tpu.memory_space<hbm>>
      tpu.enqueue_dma source(%dma_start3A_343 : memref<512xi32, #tpu.memory_space<hbm>>) target(%arg7 : memref<512xi32, #tpu.memory_space<vmem>>) target_semaphore(%run_scoped3A_341 : memref<!tpu.dma_semaphore, #tpu.memory_space<semaphore_mem>>)
      %dma_wait3A_344 = tpu.memref_slice %arg3[%mul3A_2] : memref<16384xi32, #tpu.memory_space<hbm>> -> memref<512xi32, #tpu.memory_space<hbm>>
      %dma_wait3A_345 = tpu.memref_slice %arg3[%mul3A_2] : memref<16384xi32, #tpu.memory_space<hbm>> -> memref<512xi32, #tpu.memory_space<hbm>>
      tpu.wait_dma2 semaphore(%run_scoped3A_341 : memref<!tpu.dma_semaphore, #tpu.memory_space<semaphore_mem>>) src(%dma_wait3A_345 : memref<512xi32, #tpu.memory_space<hbm>>) dst(%arg7 : memref<512xi32, #tpu.memory_space<vmem>>)
      tpu.yield
    }) : () -> ()
    %lt3A = arith.constant 15 : i32
    %lt3A_30 = arith.cmpi slt, %arg1, %lt3A : i32
    %convert_element_type3A = arith.extui %lt3A_30 : i1 to i32
    %cond3A = arith.constant 0 : i32
    %cond3A_31 = arith.cmpi ne, %convert_element_type3A, %cond3A : i32
    scf.if %cond3A_31 {
      %mul3A_341 = arith.constant 64 : i32
      %mul3A_342 = arith.muli %arg1, %mul3A_341 : i32
      "tpu.region"() ({
        %run_scoped3A_343 = tpu.sem_alloc : memref<!tpu.dma_semaphore, #tpu.memory_space<semaphore_mem>>
        %dma_start3A_344 = arith.constant 0 : i32
        %dma_start3A_345 = tpu.memref_slice %arg12[%mul3A_342, %dma_start3A_344] : memref<1000x128xf32, #tpu.memory_space<vmem_shared>> -> memref<64x128xf32, #tpu.memory_space<vmem_shared>>
        %dma_start3A_346 = arith.constant 0 : i32
        %dma_start3A_347 = tpu.memref_slice %arg5[%mul3A_342, %dma_start3A_346] : memref<1000x128xf32, #tpu.memory_space<hbm>> -> memref<64x128xf32, #tpu.memory_space<hbm>>
        tpu.enqueue_dma source(%dma_start3A_347 : memref<64x128xf32, #tpu.memory_space<hbm>>) target(%dma_start3A_345 : memref<64x128xf32, #tpu.memory_space<vmem_shared>>) target_semaphore(%run_scoped3A_343 : memref<!tpu.dma_semaphore, #tpu.memory_space<semaphore_mem>>)
        %dma_wait3A_348 = arith.constant 0 : i32
        %dma_wait3A_349 = tpu.memref_slice %arg12[%mul3A_342, %dma_wait3A_348] : memref<1000x128xf32, #tpu.memory_space<vmem_shared>> -> memref<64x128xf32, #tpu.memory_space<vmem_shared>>
        %dma_wait3A_350 = arith.constant 0 : i32
        %dma_wait3A_351 = tpu.memref_slice %arg5[%mul3A_342, %dma_wait3A_350] : memref<1000x128xf32, #tpu.memory_space<hbm>> -> memref<64x128xf32, #tpu.memory_space<hbm>>
        tpu.wait_dma2 semaphore(%run_scoped3A_343 : memref<!tpu.dma_semaphore, #tpu.memory_space<semaphore_mem>>) src(%dma_wait3A_351 : memref<64x128xf32, #tpu.memory_space<hbm>>) dst(%dma_wait3A_349 : memref<64x128xf32, #tpu.memory_space<vmem_shared>>)
        tpu.yield
      }) : () -> ()
    } else {
    }
    %eq3A = arith.constant 15 : i32
    %eq3A_32 = arith.cmpi eq, %arg1, %eq3A : i32
    %convert_element_type3A_33 = arith.extui %eq3A_32 : i1 to i32
    %cond3A_34 = arith.constant 0 : i32
    %cond3A_35 = arith.cmpi ne, %convert_element_type3A_33, %cond3A_34 : i32
    scf.if %cond3A_35 {
      "tpu.region"() ({
        %run_scoped3A_341 = tpu.sem_alloc : memref<!tpu.dma_semaphore, #tpu.memory_space<semaphore_mem>>
        %dma_start3A_342 = arith.constant 960 : i32
        %dma_start3A_343 = arith.constant 0 : i32
        %dma_start3A_344 = tpu.memref_slice %arg12[%dma_start3A_342, %dma_start3A_343] : memref<1000x128xf32, #tpu.memory_space<vmem_shared>> -> memref<40x128xf32, #tpu.memory_space<vmem_shared>>
        %dma_start3A_345 = arith.constant 960 : i32
        %dma_start3A_346 = arith.constant 0 : i32
        %dma_start3A_347 = tpu.memref_slice %arg5[%dma_start3A_345, %dma_start3A_346] : memref<1000x128xf32, #tpu.memory_space<hbm>> -> memref<40x128xf32, #tpu.memory_space<hbm>>
        tpu.enqueue_dma source(%dma_start3A_347 : memref<40x128xf32, #tpu.memory_space<hbm>>) target(%dma_start3A_344 : memref<40x128xf32, #tpu.memory_space<vmem_shared>>) target_semaphore(%run_scoped3A_341 : memref<!tpu.dma_semaphore, #tpu.memory_space<semaphore_mem>>)
        %dma_wait3A_348 = arith.constant 960 : i32
        %dma_wait3A_349 = arith.constant 0 : i32
        %dma_wait3A_350 = tpu.memref_slice %arg12[%dma_wait3A_348, %dma_wait3A_349] : memref<1000x128xf32, #tpu.memory_space<vmem_shared>> -> memref<40x128xf32, #tpu.memory_space<vmem_shared>>
        %dma_wait3A_351 = arith.constant 960 : i32
        %dma_wait3A_352 = arith.constant 0 : i32
        %dma_wait3A_353 = tpu.memref_slice %arg5[%dma_wait3A_351, %dma_wait3A_352] : memref<1000x128xf32, #tpu.memory_space<hbm>> -> memref<40x128xf32, #tpu.memory_space<hbm>>
        tpu.wait_dma2 semaphore(%run_scoped3A_341 : memref<!tpu.dma_semaphore, #tpu.memory_space<semaphore_mem>>) src(%dma_wait3A_353 : memref<40x128xf32, #tpu.memory_space<hbm>>) dst(%dma_wait3A_350 : memref<40x128xf32, #tpu.memory_space<vmem_shared>>)
        tpu.yield
      }) : () -> ()
    } else {
    }
    %barrier3A = arith.constant 0 : index
    tpu.barrier barrier_id(%barrier3A)
    %dma_start3A_36 = arith.constant 0 : i32
    %dma_start3A_37 = arith.constant 0 : i32
    %dma_start3A_38 = arith.constant 0 : i32
    %dma_start3A_39 = tpu.memref_slice %arg8[%dma_start3A_36, %dma_start3A_37, %dma_start3A_38] : memref<2x128x128xf32, #tpu.memory_space<vmem>> -> memref<1x128x128xf32, #tpu.memory_space<vmem>>
    %dma_start3A_40 = tpu.memref_squeeze %dma_start3A_39 : memref<1x128x128xf32, #tpu.memory_space<vmem>> -> memref<128x128xf32, #tpu.memory_space<vmem>>
    %dma_start3A_41 = arith.constant 0 : i32
    %dma_start3A_42 = tpu.memref_slice %arg7[%dma_start3A_41] : memref<512xi32, #tpu.memory_space<vmem>> -> memref<128xi32, #tpu.memory_space<vmem>>
    %dma_start3A_43 = arith.constant 0 : i32
    %dma_start3A_44 = arith.constant 0 : i32
    %dma_start3A_45 = tpu.memref_slice %arg12[%dma_start3A_43, %dma_start3A_44] : memref<1000x128xf32, #tpu.memory_space<vmem_shared>> -> memref<1000x128xf32, #tpu.memory_space<vmem_shared>>
    tpu.enqueue_indirect_dma source(%dma_start3A_45 : memref<1000x128xf32, #tpu.memory_space<vmem_shared>>) target(%dma_start3A_40 : memref<128x128xf32, #tpu.memory_space<vmem>>) offsets(%dma_start3A_42 : memref<128xi32, #tpu.memory_space<vmem>>) semaphore(%arg13 : memref<!tpu.dma_semaphore, #tpu.memory_space<semaphore_mem>>)
    %dma_start3A_46 = arith.constant 1 : i32
    %dma_start3A_47 = arith.constant 0 : i32
    %dma_start3A_48 = arith.constant 0 : i32
    %dma_start3A_49 = tpu.memref_slice %arg8[%dma_start3A_46, %dma_start3A_47, %dma_start3A_48] : memref<2x128x128xf32, #tpu.memory_space<vmem>> -> memref<1x128x128xf32, #tpu.memory_space<vmem>>
    %dma_start3A_50 = tpu.memref_squeeze %dma_start3A_49 : memref<1x128x128xf32, #tpu.memory_space<vmem>> -> memref<128x128xf32, #tpu.memory_space<vmem>>
    %dma_start3A_51 = arith.constant 128 : i32
    %dma_start3A_52 = tpu.memref_slice %arg7[%dma_start3A_51] : memref<512xi32, #tpu.memory_space<vmem>> -> memref<128xi32, #tpu.memory_space<vmem>>
    %dma_start3A_53 = arith.constant 0 : i32
    %dma_start3A_54 = arith.constant 0 : i32
    %dma_start3A_55 = tpu.memref_slice %arg12[%dma_start3A_53, %dma_start3A_54] : memref<1000x128xf32, #tpu.memory_space<vmem_shared>> -> memref<1000x128xf32, #tpu.memory_space<vmem_shared>>
    tpu.enqueue_indirect_dma source(%dma_start3A_55 : memref<1000x128xf32, #tpu.memory_space<vmem_shared>>) target(%dma_start3A_50 : memref<128x128xf32, #tpu.memory_space<vmem>>) offsets(%dma_start3A_52 : memref<128xi32, #tpu.memory_space<vmem>>) semaphore(%arg16 : memref<!tpu.dma_semaphore, #tpu.memory_space<semaphore_mem>>)
    %add3A_56 = arith.constant 128 : i32
    %add3A_57 = arith.addi %mul3A_2, %add3A_56 : i32
    %dma_start3A_58 = arith.constant 1 : i32
    %dma_start3A_59 = arith.constant 0 : i32
    %dma_start3A_60 = arith.constant 0 : i32
    %dma_start3A_61 = tpu.memref_slice %arg9[%dma_start3A_58, %dma_start3A_59, %dma_start3A_60] : memref<2x128x128xf32, #tpu.memory_space<vmem>> -> memref<1x128x128xf32, #tpu.memory_space<vmem>>
    %dma_start3A_62 = tpu.memref_squeeze %dma_start3A_61 : memref<1x128x128xf32, #tpu.memory_space<vmem>> -> memref<128x128xf32, #tpu.memory_space<vmem>>
    %dma_start3A_63 = arith.constant 0 : i32
    %dma_start3A_64 = tpu.memref_slice %arg2[%add3A_57, %dma_start3A_63] : memref<16384x128xf32, #tpu.memory_space<hbm>> -> memref<128x128xf32, #tpu.memory_space<hbm>>
    %dma_start3A_65 = arith.constant 0 : i32
    %dma_start3A_66 = arith.constant 0 : i32
    %dma_start3A_67 = tpu.memref_slice %arg9[%dma_start3A_58, %dma_start3A_65, %dma_start3A_66] : memref<2x128x128xf32, #tpu.memory_space<vmem>> -> memref<1x128x128xf32, #tpu.memory_space<vmem>>
    %dma_start3A_68 = tpu.memref_squeeze %dma_start3A_67 : memref<1x128x128xf32, #tpu.memory_space<vmem>> -> memref<128x128xf32, #tpu.memory_space<vmem>>
    %dma_start3A_69 = arith.constant 0 : i32
    %dma_start3A_70 = tpu.memref_slice %arg2[%add3A_57, %dma_start3A_69] : memref<16384x128xf32, #tpu.memory_space<hbm>> -> memref<128x128xf32, #tpu.memory_space<hbm>>
    tpu.enqueue_dma source(%dma_start3A_70 : memref<128x128xf32, #tpu.memory_space<hbm>>) target(%dma_start3A_68 : memref<128x128xf32, #tpu.memory_space<vmem>>) target_semaphore(%arg17 : memref<!tpu.dma_semaphore, #tpu.memory_space<semaphore_mem>>)
    %dma_start3A_71 = arith.constant 1 : i32
    %dma_start3A_72 = arith.constant 0 : i32
    %dma_start3A_73 = arith.constant 0 : i32
    %dma_start3A_74 = tpu.memref_slice %arg10[%dma_start3A_71, %dma_start3A_72, %dma_start3A_73] : memref<2x128x128xf32, #tpu.memory_space<vmem>> -> memref<1x128x128xf32, #tpu.memory_space<vmem>>
    %dma_start3A_75 = tpu.memref_squeeze %dma_start3A_74 : memref<1x128x128xf32, #tpu.memory_space<vmem>> -> memref<128x128xf32, #tpu.memory_space<vmem>>
    %dma_start3A_76 = arith.constant 0 : i32
    %dma_start3A_77 = tpu.memref_slice %arg4[%add3A_57, %dma_start3A_76] : memref<16384x128xf32, #tpu.memory_space<hbm>> -> memref<128x128xf32, #tpu.memory_space<hbm>>
    %dma_start3A_78 = arith.constant 0 : i32
    %dma_start3A_79 = arith.constant 0 : i32
    %dma_start3A_80 = tpu.memref_slice %arg10[%dma_start3A_71, %dma_start3A_78, %dma_start3A_79] : memref<2x128x128xf32, #tpu.memory_space<vmem>> -> memref<1x128x128xf32, #tpu.memory_space<vmem>>
    %dma_start3A_81 = tpu.memref_squeeze %dma_start3A_80 : memref<1x128x128xf32, #tpu.memory_space<vmem>> -> memref<128x128xf32, #tpu.memory_space<vmem>>
    %dma_start3A_82 = arith.constant 0 : i32
    %dma_start3A_83 = tpu.memref_slice %arg4[%add3A_57, %dma_start3A_82] : memref<16384x128xf32, #tpu.memory_space<hbm>> -> memref<128x128xf32, #tpu.memory_space<hbm>>
    tpu.enqueue_dma source(%dma_start3A_83 : memref<128x128xf32, #tpu.memory_space<hbm>>) target(%dma_start3A_81 : memref<128x128xf32, #tpu.memory_space<vmem>>) target_semaphore(%arg18 : memref<!tpu.dma_semaphore, #tpu.memory_space<semaphore_mem>>)
    %dma_wait3A = arith.constant 0 : i32
    %dma_wait3A_84 = arith.constant 0 : i32
    %dma_wait3A_85 = arith.constant 0 : i32
    %dma_wait3A_86 = tpu.memref_slice %arg8[%dma_wait3A, %dma_wait3A_84, %dma_wait3A_85] : memref<2x128x128xf32, #tpu.memory_space<vmem>> -> memref<1x128x128xf32, #tpu.memory_space<vmem>>
    %dma_wait3A_87 = tpu.memref_squeeze %dma_wait3A_86 : memref<1x128x128xf32, #tpu.memory_space<vmem>> -> memref<128x128xf32, #tpu.memory_space<vmem>>
    %dma_wait3A_88 = arith.constant 0 : i32
    %dma_wait3A_89 = tpu.memref_slice %arg7[%dma_wait3A_88] : memref<512xi32, #tpu.memory_space<vmem>> -> memref<128xi32, #tpu.memory_space<vmem>>
    %dma_wait3A_90 = arith.constant 0 : i32
    %dma_wait3A_91 = arith.constant 0 : i32
    %dma_wait3A_92 = tpu.memref_slice %arg12[%dma_wait3A_90, %dma_wait3A_91] : memref<1000x128xf32, #tpu.memory_space<vmem_shared>> -> memref<1000x128xf32, #tpu.memory_space<vmem_shared>>
    tpu.wait_indirect_dma semaphore(%arg13 : memref<!tpu.dma_semaphore, #tpu.memory_space<semaphore_mem>>) src(%dma_wait3A_92 : memref<1000x128xf32, #tpu.memory_space<vmem_shared>>) dst(%dma_wait3A_87 : memref<128x128xf32, #tpu.memory_space<vmem>>)
    %dma_wait3A_93 = arith.constant 0 : i32
    %dma_wait3A_94 = arith.constant 0 : i32
    %dma_wait3A_95 = arith.constant 0 : i32
    %dma_wait3A_96 = tpu.memref_slice %arg9[%dma_wait3A_93, %dma_wait3A_94, %dma_wait3A_95] : memref<2x128x128xf32, #tpu.memory_space<vmem>> -> memref<1x128x128xf32, #tpu.memory_space<vmem>>
    %dma_wait3A_97 = tpu.memref_squeeze %dma_wait3A_96 : memref<1x128x128xf32, #tpu.memory_space<vmem>> -> memref<128x128xf32, #tpu.memory_space<vmem>>
    %dma_wait3A_98 = arith.constant 0 : i32
    %dma_wait3A_99 = tpu.memref_slice %arg2[%add3A_4, %dma_wait3A_98] : memref<16384x128xf32, #tpu.memory_space<hbm>> -> memref<128x128xf32, #tpu.memory_space<hbm>>
    %dma_wait3A_100 = arith.constant 0 : i32
    %dma_wait3A_101 = arith.constant 0 : i32
    %dma_wait3A_102 = tpu.memref_slice %arg9[%dma_wait3A_93, %dma_wait3A_100, %dma_wait3A_101] : memref<2x128x128xf32, #tpu.memory_space<vmem>> -> memref<1x128x128xf32, #tpu.memory_space<vmem>>
    %dma_wait3A_103 = tpu.memref_squeeze %dma_wait3A_102 : memref<1x128x128xf32, #tpu.memory_space<vmem>> -> memref<128x128xf32, #tpu.memory_space<vmem>>
    %dma_wait3A_104 = arith.constant 0 : i32
    %dma_wait3A_105 = tpu.memref_slice %arg2[%add3A_4, %dma_wait3A_104] : memref<16384x128xf32, #tpu.memory_space<hbm>> -> memref<128x128xf32, #tpu.memory_space<hbm>>
    tpu.wait_dma2 semaphore(%arg14 : memref<!tpu.dma_semaphore, #tpu.memory_space<semaphore_mem>>) src(%dma_wait3A_105 : memref<128x128xf32, #tpu.memory_space<hbm>>) dst(%dma_wait3A_103 : memref<128x128xf32, #tpu.memory_space<vmem>>)
    %dma_wait3A_106 = arith.constant 0 : i32
    %dma_wait3A_107 = arith.constant 0 : i32
    %dma_wait3A_108 = arith.constant 0 : i32
    %dma_wait3A_109 = tpu.memref_slice %arg10[%dma_wait3A_106, %dma_wait3A_107, %dma_wait3A_108] : memref<2x128x128xf32, #tpu.memory_space<vmem>> -> memref<1x128x128xf32, #tpu.memory_space<vmem>>
    %dma_wait3A_110 = tpu.memref_squeeze %dma_wait3A_109 : memref<1x128x128xf32, #tpu.memory_space<vmem>> -> memref<128x128xf32, #tpu.memory_space<vmem>>
    %dma_wait3A_111 = arith.constant 0 : i32
    %dma_wait3A_112 = tpu.memref_slice %arg4[%add3A_4, %dma_wait3A_111] : memref<16384x128xf32, #tpu.memory_space<hbm>> -> memref<128x128xf32, #tpu.memory_space<hbm>>
    %dma_wait3A_113 = arith.constant 0 : i32
    %dma_wait3A_114 = arith.constant 0 : i32
    %dma_wait3A_115 = tpu.memref_slice %arg10[%dma_wait3A_106, %dma_wait3A_113, %dma_wait3A_114] : memref<2x128x128xf32, #tpu.memory_space<vmem>> -> memref<1x128x128xf32, #tpu.memory_space<vmem>>
    %dma_wait3A_116 = tpu.memref_squeeze %dma_wait3A_115 : memref<1x128x128xf32, #tpu.memory_space<vmem>> -> memref<128x128xf32, #tpu.memory_space<vmem>>
    %dma_wait3A_117 = arith.constant 0 : i32
    %dma_wait3A_118 = tpu.memref_slice %arg4[%add3A_4, %dma_wait3A_117] : memref<16384x128xf32, #tpu.memory_space<hbm>> -> memref<128x128xf32, #tpu.memory_space<hbm>>
    tpu.wait_dma2 semaphore(%arg15 : memref<!tpu.dma_semaphore, #tpu.memory_space<semaphore_mem>>) src(%dma_wait3A_118 : memref<128x128xf32, #tpu.memory_space<hbm>>) dst(%dma_wait3A_116 : memref<128x128xf32, #tpu.memory_space<vmem>>)
    %scan3A = arith.constant 0 : i32
    %scan3A_119 = arith.constant 0 : i32
    %scan3A_120 = arith.constant 8 : i32
    %scan3A_121 = arith.addi %scan3A_119, %scan3A_120 : i32
    %scan3A_122 = arith.constant 1 : i32
    %scan3A_123 = scf.for %scan3A_341 = %scan3A_119 to %scan3A_121 step %scan3A_122 iter_args(%scan3A_342 = %scan3A) -> (i32)  : i32 {
      %mul3A_343 = arith.constant 16 : i32
      %mul3A_344 = arith.muli %scan3A_341, %mul3A_343 : i32
      %broadcast_in_dim3A = arith.constant 0.000000e+00 : f32
      %broadcast_in_dim3A_345 = vector.broadcast %broadcast_in_dim3A : f32 to vector<16xf32>
      %scan3A_346 = arith.constant 0 : i32
      %scan3A_347 = arith.constant 16 : i32
      %scan3A_348 = arith.addi %scan3A_346, %scan3A_347 : i32
      %scan3A_349 = arith.constant 1 : i32
      %scan3A_350 = scf.for %scan3A_358 = %scan3A_346 to %scan3A_348 step %scan3A_349 iter_args(%scan3A_359 = %broadcast_in_dim3A_345) -> (vector<16xf32>)  : i32 {
        %add3A_360 = arith.addi %mul3A_344, %scan3A_358 : i32
        %get3A = arith.constant 0 : i32
        %get3A_361 = arith.index_cast %get3A : i32 to index
        %get3A_362 = arith.index_cast %add3A_360 : i32 to index
        %get3A_363 = arith.constant 0 : index
        %get3A_364 = tpu.vector_load %arg9[%get3A_361, %get3A_362, %get3A_363] {strides = array<i32>} : memref<2x128x128xf32, #tpu.memory_space<vmem>>, vector<1x1x16xf32>,
        %get3A_365 = vector.shape_cast %get3A_364 : vector<1x1x16xf32> to vector<16xf32>
        %get3A_366 = arith.constant 0 : i32
        %get3A_367 = arith.index_cast %get3A_366 : i32 to index
        %get3A_368 = arith.index_cast %add3A_360 : i32 to index
        %get3A_369 = arith.constant 0 : index
        %get3A_370 = tpu.vector_load %arg8[%get3A_367, %get3A_368, %get3A_369] {strides = array<i32>} : memref<2x128x128xf32, #tpu.memory_space<vmem>>, vector<1x1x16xf32>,
        %get3A_371 = vector.shape_cast %get3A_370 : vector<1x1x16xf32> to vector<16xf32>
        %mul3A_372 = arith.mulf %get3A_365, %get3A_371 : vector<16xf32>
        %get3A_373 = arith.constant 0 : i32
        %get3A_374 = arith.index_cast %get3A_373 : i32 to index
        %get3A_375 = arith.index_cast %add3A_360 : i32 to index
        %get3A_376 = arith.constant 0 : index
        %get3A_377 = tpu.vector_load %arg10[%get3A_374, %get3A_375, %get3A_376] {strides = array<i32>} : memref<2x128x128xf32, #tpu.memory_space<vmem>>, vector<1x1x16xf32>,
        %get3A_378 = vector.shape_cast %get3A_377 : vector<1x1x16xf32> to vector<16xf32>
        %mul3A_379 = arith.mulf %mul3A_372, %get3A_378 : vector<16xf32>
        %get3A_380 = arith.constant 0 : i32
        %get3A_381 = arith.index_cast %get3A_380 : i32 to index
        %get3A_382 = arith.index_cast %add3A_360 : i32 to index
        %get3A_383 = arith.constant 16 : index
        %get3A_384 = tpu.vector_load %arg9[%get3A_381, %get3A_382, %get3A_383] {strides = array<i32>} : memref<2x128x128xf32, #tpu.memory_space<vmem>>, vector<1x1x16xf32>,
        %get3A_385 = vector.shape_cast %get3A_384 : vector<1x1x16xf32> to vector<16xf32>
        %get3A_386 = arith.constant 0 : i32
        %get3A_387 = arith.index_cast %get3A_386 : i32 to index
        %get3A_388 = arith.index_cast %add3A_360 : i32 to index
        %get3A_389 = arith.constant 16 : index
        %get3A_390 = tpu.vector_load %arg8[%get3A_387, %get3A_388, %get3A_389] {strides = array<i32>} : memref<2x128x128xf32, #tpu.memory_space<vmem>>, vector<1x1x16xf32>,
        %get3A_391 = vector.shape_cast %get3A_390 : vector<1x1x16xf32> to vector<16xf32>
        %mul3A_392 = arith.mulf %get3A_385, %get3A_391 : vector<16xf32>
        %get3A_393 = arith.constant 0 : i32
        %get3A_394 = arith.index_cast %get3A_393 : i32 to index
        %get3A_395 = arith.index_cast %add3A_360 : i32 to index
        %get3A_396 = arith.constant 16 : index
        %get3A_397 = tpu.vector_load %arg10[%get3A_394, %get3A_395, %get3A_396] {strides = array<i32>} : memref<2x128x128xf32, #tpu.memory_space<vmem>>, vector<1x1x16xf32>,
        %get3A_398 = vector.shape_cast %get3A_397 : vector<1x1x16xf32> to vector<16xf32>
        %mul3A_399 = arith.mulf %mul3A_392, %get3A_398 : vector<16xf32>
        %get3A_400 = arith.constant 0 : i32
        %get3A_401 = arith.index_cast %get3A_400 : i32 to index
        %get3A_402 = arith.index_cast %add3A_360 : i32 to index
        %get3A_403 = arith.constant 32 : index
        %get3A_404 = tpu.vector_load %arg9[%get3A_401, %get3A_402, %get3A_403] {strides = array<i32>} : memref<2x128x128xf32, #tpu.memory_space<vmem>>, vector<1x1x16xf32>,
        %get3A_405 = vector.shape_cast %get3A_404 : vector<1x1x16xf32> to vector<16xf32>
        %get3A_406 = arith.constant 0 : i32
        %get3A_407 = arith.index_cast %get3A_406 : i32 to index
        %get3A_408 = arith.index_cast %add3A_360 : i32 to index
        %get3A_409 = arith.constant 32 : index
        %get3A_410 = tpu.vector_load %arg8[%get3A_407, %get3A_408, %get3A_409] {strides = array<i32>} : memref<2x128x128xf32, #tpu.memory_space<vmem>>, vector<1x1x16xf32>,
        %get3A_411 = vector.shape_cast %get3A_410 : vector<1x1x16xf32> to vector<16xf32>
        %mul3A_412 = arith.mulf %get3A_405, %get3A_411 : vector<16xf32>
        %get3A_413 = arith.constant 0 : i32
        %get3A_414 = arith.index_cast %get3A_413 : i32 to index
        %get3A_415 = arith.index_cast %add3A_360 : i32 to index
        %get3A_416 = arith.constant 32 : index
        %get3A_417 = tpu.vector_load %arg10[%get3A_414, %get3A_415, %get3A_416] {strides = array<i32>} : memref<2x128x128xf32, #tpu.memory_space<vmem>>, vector<1x1x16xf32>,
        %get3A_418 = vector.shape_cast %get3A_417 : vector<1x1x16xf32> to vector<16xf32>
        %mul3A_419 = arith.mulf %mul3A_412, %get3A_418 : vector<16xf32>
        %add3A_420 = arith.addf %mul3A_379, %mul3A_419 : vector<16xf32>
        %get3A_421 = arith.constant 0 : i32
        %get3A_422 = arith.index_cast %get3A_421 : i32 to index
        %get3A_423 = arith.index_cast %add3A_360 : i32 to index
        %get3A_424 = arith.constant 48 : index
        %get3A_425 = tpu.vector_load %arg9[%get3A_422, %get3A_423, %get3A_424] {strides = array<i32>} : memref<2x128x128xf32, #tpu.memory_space<vmem>>, vector<1x1x16xf32>,
        %get3A_426 = vector.shape_cast %get3A_425 : vector<1x1x16xf32> to vector<16xf32>
        %get3A_427 = arith.constant 0 : i32
        %get3A_428 = arith.index_cast %get3A_427 : i32 to index
        %get3A_429 = arith.index_cast %add3A_360 : i32 to index
        %get3A_430 = arith.constant 48 : index
        %get3A_431 = tpu.vector_load %arg8[%get3A_428, %get3A_429, %get3A_430] {strides = array<i32>} : memref<2x128x128xf32, #tpu.memory_space<vmem>>, vector<1x1x16xf32>,
        %get3A_432 = vector.shape_cast %get3A_431 : vector<1x1x16xf32> to vector<16xf32>
        %mul3A_433 = arith.mulf %get3A_426, %get3A_432 : vector<16xf32>
        %get3A_434 = arith.constant 0 : i32
        %get3A_435 = arith.index_cast %get3A_434 : i32 to index
        %get3A_436 = arith.index_cast %add3A_360 : i32 to index
        %get3A_437 = arith.constant 48 : index
        %get3A_438 = tpu.vector_load %arg10[%get3A_435, %get3A_436, %get3A_437] {strides = array<i32>} : memref<2x128x128xf32, #tpu.memory_space<vmem>>, vector<1x1x16xf32>,
        %get3A_439 = vector.shape_cast %get3A_438 : vector<1x1x16xf32> to vector<16xf32>
        %mul3A_440 = arith.mulf %mul3A_433, %get3A_439 : vector<16xf32>
        %add3A_441 = arith.addf %mul3A_399, %mul3A_440 : vector<16xf32>
        %get3A_442 = arith.constant 0 : i32
        %get3A_443 = arith.index_cast %get3A_442 : i32 to index
        %get3A_444 = arith.index_cast %add3A_360 : i32 to index
        %get3A_445 = arith.constant 64 : index
        %get3A_446 = tpu.vector_load %arg9[%get3A_443, %get3A_444, %get3A_445] {strides = array<i32>} : memref<2x128x128xf32, #tpu.memory_space<vmem>>, vector<1x1x16xf32>,
        %get3A_447 = vector.shape_cast %get3A_446 : vector<1x1x16xf32> to vector<16xf32>
        %get3A_448 = arith.constant 0 : i32
        %get3A_449 = arith.index_cast %get3A_448 : i32 to index
        %get3A_450 = arith.index_cast %add3A_360 : i32 to index
        %get3A_451 = arith.constant 64 : index
        %get3A_452 = tpu.vector_load %arg8[%get3A_449, %get3A_450, %get3A_451] {strides = array<i32>} : memref<2x128x128xf32, #tpu.memory_space<vmem>>, vector<1x1x16xf32>,
        %get3A_453 = vector.shape_cast %get3A_452 : vector<1x1x16xf32> to vector<16xf32>
        %mul3A_454 = arith.mulf %get3A_447, %get3A_453 : vector<16xf32>
        %get3A_455 = arith.constant 0 : i32
        %get3A_456 = arith.index_cast %get3A_455 : i32 to index
        %get3A_457 = arith.index_cast %add3A_360 : i32 to index
        %get3A_458 = arith.constant 64 : index
        %get3A_459 = tpu.vector_load %arg10[%get3A_456, %get3A_457, %get3A_458] {strides = array<i32>} : memref<2x128x128xf32, #tpu.memory_space<vmem>>, vector<1x1x16xf32>,
        %get3A_460 = vector.shape_cast %get3A_459 : vector<1x1x16xf32> to vector<16xf32>
        %mul3A_461 = arith.mulf %mul3A_454, %get3A_460 : vector<16xf32>
        %add3A_462 = arith.addf %add3A_420, %mul3A_461 : vector<16xf32>
        %get3A_463 = arith.constant 0 : i32
        %get3A_464 = arith.index_cast %get3A_463 : i32 to index
        %get3A_465 = arith.index_cast %add3A_360 : i32 to index
        %get3A_466 = arith.constant 80 : index
        %get3A_467 = tpu.vector_load %arg9[%get3A_464, %get3A_465, %get3A_466] {strides = array<i32>} : memref<2x128x128xf32, #tpu.memory_space<vmem>>, vector<1x1x16xf32>,
        %get3A_468 = vector.shape_cast %get3A_467 : vector<1x1x16xf32> to vector<16xf32>
        %get3A_469 = arith.constant 0 : i32
        %get3A_470 = arith.index_cast %get3A_469 : i32 to index
        %get3A_471 = arith.index_cast %add3A_360 : i32 to index
        %get3A_472 = arith.constant 80 : index
        %get3A_473 = tpu.vector_load %arg8[%get3A_470, %get3A_471, %get3A_472] {strides = array<i32>} : memref<2x128x128xf32, #tpu.memory_space<vmem>>, vector<1x1x16xf32>,
        %get3A_474 = vector.shape_cast %get3A_473 : vector<1x1x16xf32> to vector<16xf32>
        %mul3A_475 = arith.mulf %get3A_468, %get3A_474 : vector<16xf32>
        %get3A_476 = arith.constant 0 : i32
        %get3A_477 = arith.index_cast %get3A_476 : i32 to index
        %get3A_478 = arith.index_cast %add3A_360 : i32 to index
        %get3A_479 = arith.constant 80 : index
        %get3A_480 = tpu.vector_load %arg10[%get3A_477, %get3A_478, %get3A_479] {strides = array<i32>} : memref<2x128x128xf32, #tpu.memory_space<vmem>>, vector<1x1x16xf32>,
        %get3A_481 = vector.shape_cast %get3A_480 : vector<1x1x16xf32> to vector<16xf32>
        %mul3A_482 = arith.mulf %mul3A_475, %get3A_481 : vector<16xf32>
        %add3A_483 = arith.addf %add3A_441, %mul3A_482 : vector<16xf32>
        %get3A_484 = arith.constant 0 : i32
        %get3A_485 = arith.index_cast %get3A_484 : i32 to index
        %get3A_486 = arith.index_cast %add3A_360 : i32 to index
        %get3A_487 = arith.constant 96 : index
        %get3A_488 = tpu.vector_load %arg9[%get3A_485, %get3A_486, %get3A_487] {strides = array<i32>} : memref<2x128x128xf32, #tpu.memory_space<vmem>>, vector<1x1x16xf32>,
        %get3A_489 = vector.shape_cast %get3A_488 : vector<1x1x16xf32> to vector<16xf32>
        %get3A_490 = arith.constant 0 : i32
        %get3A_491 = arith.index_cast %get3A_490 : i32 to index
        %get3A_492 = arith.index_cast %add3A_360 : i32 to index
        %get3A_493 = arith.constant 96 : index
        %get3A_494 = tpu.vector_load %arg8[%get3A_491, %get3A_492, %get3A_493] {strides = array<i32>} : memref<2x128x128xf32, #tpu.memory_space<vmem>>, vector<1x1x16xf32>,
        %get3A_495 = vector.shape_cast %get3A_494 : vector<1x1x16xf32> to vector<16xf32>
        %mul3A_496 = arith.mulf %get3A_489, %get3A_495 : vector<16xf32>
        %get3A_497 = arith.constant 0 : i32
        %get3A_498 = arith.index_cast %get3A_497 : i32 to index
        %get3A_499 = arith.index_cast %add3A_360 : i32 to index
        %get3A_500 = arith.constant 96 : index
        %get3A_501 = tpu.vector_load %arg10[%get3A_498, %get3A_499, %get3A_500] {strides = array<i32>} : memref<2x128x128xf32, #tpu.memory_space<vmem>>, vector<1x1x16xf32>,
        %get3A_502 = vector.shape_cast %get3A_501 : vector<1x1x16xf32> to vector<16xf32>
        %mul3A_503 = arith.mulf %mul3A_496, %get3A_502 : vector<16xf32>
        %add3A_504 = arith.addf %add3A_462, %mul3A_503 : vector<16xf32>
        %get3A_505 = arith.constant 0 : i32
        %get3A_506 = arith.index_cast %get3A_505 : i32 to index
        %get3A_507 = arith.index_cast %add3A_360 : i32 to index
        %get3A_508 = arith.constant 112 : index
        %get3A_509 = tpu.vector_load %arg9[%get3A_506, %get3A_507, %get3A_508] {strides = array<i32>} : memref<2x128x128xf32, #tpu.memory_space<vmem>>, vector<1x1x16xf32>,
        %get3A_510 = vector.shape_cast %get3A_509 : vector<1x1x16xf32> to vector<16xf32>
        %get3A_511 = arith.constant 0 : i32
        %get3A_512 = arith.index_cast %get3A_511 : i32 to index
        %get3A_513 = arith.index_cast %add3A_360 : i32 to index
        %get3A_514 = arith.constant 112 : index
        %get3A_515 = tpu.vector_load %arg8[%get3A_512, %get3A_513, %get3A_514] {strides = array<i32>} : memref<2x128x128xf32, #tpu.memory_space<vmem>>, vector<1x1x16xf32>,
        %get3A_516 = vector.shape_cast %get3A_515 : vector<1x1x16xf32> to vector<16xf32>
        %mul3A_517 = arith.mulf %get3A_510, %get3A_516 : vector<16xf32>
        %get3A_518 = arith.constant 0 : i32
        %get3A_519 = arith.index_cast %get3A_518 : i32 to index
        %get3A_520 = arith.index_cast %add3A_360 : i32 to index
        %get3A_521 = arith.constant 112 : index
        %get3A_522 = tpu.vector_load %arg10[%get3A_519, %get3A_520, %get3A_521] {strides = array<i32>} : memref<2x128x128xf32, #tpu.memory_space<vmem>>, vector<1x1x16xf32>,
        %get3A_523 = vector.shape_cast %get3A_522 : vector<1x1x16xf32> to vector<16xf32>
        %mul3A_524 = arith.mulf %mul3A_517, %get3A_523 : vector<16xf32>
        %add3A_525 = arith.addf %add3A_483, %mul3A_524 : vector<16xf32>
        %add3A_526 = arith.addf %add3A_504, %add3A_525 : vector<16xf32>
        %xor3A = arith.constant 8 : i32
        %xor3A_527 = vector.broadcast %xor3A : i32 to vector<16xi32>
        %xor3A_528 = arith.xori %iota3A, %xor3A_527 : vector<16xi32>
        %broadcast_in_dim3A_529 = vector.shape_cast %xor3A_528 : vector<16xi32> to vector<16x1xi32>
        %gather3A = vector.shape_cast %broadcast_in_dim3A_529 : vector<16x1xi32> to vector<16xi32>
        %gather3A_530 = tpu.dynamic_gather %add3A_526[%gather3A] in [0] : vector<16xf32>, vector<16xi32> -> vector<16xf32>
        %add3A_531 = arith.addf %add3A_526, %gather3A_530 : vector<16xf32>
        %xor3A_532 = arith.constant 4 : i32
        %xor3A_533 = vector.broadcast %xor3A_532 : i32 to vector<16xi32>
        %xor3A_534 = arith.xori %iota3A, %xor3A_533 : vector<16xi32>
        %broadcast_in_dim3A_535 = vector.shape_cast %xor3A_534 : vector<16xi32> to vector<16x1xi32>
        %gather3A_536 = vector.shape_cast %broadcast_in_dim3A_535 : vector<16x1xi32> to vector<16xi32>
        %gather3A_537 = tpu.dynamic_gather %add3A_531[%gather3A_536] in [0] : vector<16xf32>, vector<16xi32> -> vector<16xf32>
        %add3A_538 = arith.addf %add3A_531, %gather3A_537 : vector<16xf32>
        %xor3A_539 = arith.constant 2 : i32
        %xor3A_540 = vector.broadcast %xor3A_539 : i32 to vector<16xi32>
        %xor3A_541 = arith.xori %iota3A, %xor3A_540 : vector<16xi32>
        %broadcast_in_dim3A_542 = vector.shape_cast %xor3A_541 : vector<16xi32> to vector<16x1xi32>
        %gather3A_543 = vector.shape_cast %broadcast_in_dim3A_542 : vector<16x1xi32> to vector<16xi32>
        %gather3A_544 = tpu.dynamic_gather %add3A_538[%gather3A_543] in [0] : vector<16xf32>, vector<16xi32> -> vector<16xf32>
        %add3A_545 = arith.addf %add3A_538, %gather3A_544 : vector<16xf32>
        %xor3A_546 = arith.constant 1 : i32
        %xor3A_547 = vector.broadcast %xor3A_546 : i32 to vector<16xi32>
        %xor3A_548 = arith.xori %iota3A, %xor3A_547 : vector<16xi32>
        %broadcast_in_dim3A_549 = vector.shape_cast %xor3A_548 : vector<16xi32> to vector<16x1xi32>
        %gather3A_550 = vector.shape_cast %broadcast_in_dim3A_549 : vector<16x1xi32> to vector<16xi32>
        %gather3A_551 = tpu.dynamic_gather %add3A_545[%gather3A_550] in [0] : vector<16xf32>, vector<16xi32> -> vector<16xf32>
        %add3A_552 = arith.addf %add3A_545, %gather3A_551 : vector<16xf32>
        %eq3A_553 = vector.broadcast %scan3A_358 : i32 to vector<16xi32>
        %eq3A_554 = arith.cmpi eq, %iota3A, %eq3A_553 : vector<16xi32>
        %select_n3A = arith.select %eq3A_554, %add3A_552, %scan3A_359 : vector<16xi1>, vector<16xf32>
        scf.yield %select_n3A : vector<16xf32>
      }
      %scan3A_351 = arith.constant 16 : i32
      %swap3A = arith.constant 0 : i32
      %swap3A_352 = arith.index_cast %swap3A : i32 to index
      %swap3A_353 = arith.index_cast %mul3A_344 : i32 to index
      %swap3A_354 = tpu.vector_load %arg11[%swap3A_352, %swap3A_353] {strides = array<i32>} : memref<2x128xf32, #tpu.memory_space<vmem>>, vector<1x16xf32>,
      %swap3A_355 = vector.shape_cast %swap3A_354 : vector<1x16xf32> to vector<16xf32>
      %swap3A_356 = vector.shape_cast %scan3A_350 : vector<16xf32> to vector<1x16xf32>
      tpu.vector_store %arg11[%swap3A_352, %swap3A_353], %swap3A_356 {strides = array<i32>} : memref<2x128xf32, #tpu.memory_space<vmem>>, vector<1x16xf32>,
      %scan3A_357 = arith.constant 0 : i32
      scf.yield %scan3A_357 : i32
    }
    %scan3A_124 = arith.constant 8 : i32
    %add3A_125 = arith.constant 0 : i32
    %add3A_126 = arith.addi %mul3A_2, %add3A_125 : i32
    %run_scoped3A = arith.constant 0 : i32
    "tpu.region"() ({
      %run_scoped3A_341 = tpu.sem_alloc : memref<!tpu.dma_semaphore, #tpu.memory_space<semaphore_mem>>
      %dma_start3A_342 = arith.constant 0 : i32
      %dma_start3A_343 = tpu.memref_slice %arg11[%run_scoped3A, %dma_start3A_342] : memref<2x128xf32, #tpu.memory_space<vmem>> -> memref<1x128xf32, #tpu.memory_space<vmem>>
      %dma_start3A_344 = tpu.memref_squeeze %dma_start3A_343 : memref<1x128xf32, #tpu.memory_space<vmem>> -> memref<128xf32, #tpu.memory_space<vmem>>
      %dma_start3A_345 = tpu.memref_slice %arg6[%add3A_126] : memref<16384xf32, #tpu.memory_space<hbm>> -> memref<128xf32, #tpu.memory_space<hbm>>
      %dma_start3A_346 = tpu.memref_slice %arg6[%add3A_126] : memref<16384xf32, #tpu.memory_space<hbm>> -> memref<128xf32, #tpu.memory_space<hbm>>
      %dma_start3A_347 = arith.constant 0 : i32
      %dma_start3A_348 = tpu.memref_slice %arg11[%run_scoped3A, %dma_start3A_347] : memref<2x128xf32, #tpu.memory_space<vmem>> -> memref<1x128xf32, #tpu.memory_space<vmem>>
      %dma_start3A_349 = tpu.memref_squeeze %dma_start3A_348 : memref<1x128xf32, #tpu.memory_space<vmem>> -> memref<128xf32, #tpu.memory_space<vmem>>
      tpu.enqueue_dma source(%dma_start3A_349 : memref<128xf32, #tpu.memory_space<vmem>>) target(%dma_start3A_346 : memref<128xf32, #tpu.memory_space<hbm>>) target_semaphore(%run_scoped3A_341 : memref<!tpu.dma_semaphore, #tpu.memory_space<semaphore_mem>>)
      %dma_wait3A_350 = arith.constant 0 : i32
      %dma_wait3A_351 = tpu.memref_slice %arg11[%run_scoped3A, %dma_wait3A_350] : memref<2x128xf32, #tpu.memory_space<vmem>> -> memref<1x128xf32, #tpu.memory_space<vmem>>
      %dma_wait3A_352 = tpu.memref_squeeze %dma_wait3A_351 : memref<1x128xf32, #tpu.memory_space<vmem>> -> memref<128xf32, #tpu.memory_space<vmem>>
      %dma_wait3A_353 = tpu.memref_slice %arg6[%add3A_126] : memref<16384xf32, #tpu.memory_space<hbm>> -> memref<128xf32, #tpu.memory_space<hbm>>
      %dma_wait3A_354 = tpu.memref_slice %arg6[%add3A_126] : memref<16384xf32, #tpu.memory_space<hbm>> -> memref<128xf32, #tpu.memory_space<hbm>>
      %dma_wait3A_355 = arith.constant 0 : i32
      %dma_wait3A_356 = tpu.memref_slice %arg11[%run_scoped3A, %dma_wait3A_355] : memref<2x128xf32, #tpu.memory_space<vmem>> -> memref<1x128xf32, #tpu.memory_space<vmem>>
      %dma_wait3A_357 = tpu.memref_squeeze %dma_wait3A_356 : memref<1x128xf32, #tpu.memory_space<vmem>> -> memref<128xf32, #tpu.memory_space<vmem>>
      tpu.wait_dma2 semaphore(%run_scoped3A_341 : memref<!tpu.dma_semaphore, #tpu.memory_space<semaphore_mem>>) src(%dma_wait3A_357 : memref<128xf32, #tpu.memory_space<vmem>>) dst(%dma_wait3A_354 : memref<128xf32, #tpu.memory_space<hbm>>)
      tpu.yield
    }) : () -> ()
    %dma_start3A_127 = arith.constant 0 : i32
    %dma_start3A_128 = arith.constant 0 : i32
    %dma_start3A_129 = arith.constant 0 : i32
    %dma_start3A_130 = tpu.memref_slice %arg8[%dma_start3A_127, %dma_start3A_128, %dma_start3A_129] : memref<2x128x128xf32, #tpu.memory_space<vmem>> -> memref<1x128x128xf32, #tpu.memory_space<vmem>>
    %dma_start3A_131 = tpu.memref_squeeze %dma_start3A_130 : memref<1x128x128xf32, #tpu.memory_space<vmem>> -> memref<128x128xf32, #tpu.memory_space<vmem>>
    %dma_start3A_132 = arith.constant 256 : i32
    %dma_start3A_133 = tpu.memref_slice %arg7[%dma_start3A_132] : memref<512xi32, #tpu.memory_space<vmem>> -> memref<128xi32, #tpu.memory_space<vmem>>
    %dma_start3A_134 = arith.constant 0 : i32
    %dma_start3A_135 = arith.constant 0 : i32
    %dma_start3A_136 = tpu.memref_slice %arg12[%dma_start3A_134, %dma_start3A_135] : memref<1000x128xf32, #tpu.memory_space<vmem_shared>> -> memref<1000x128xf32, #tpu.memory_space<vmem_shared>>
    tpu.enqueue_indirect_dma source(%dma_start3A_136 : memref<1000x128xf32, #tpu.memory_space<vmem_shared>>) target(%dma_start3A_131 : memref<128x128xf32, #tpu.memory_space<vmem>>) offsets(%dma_start3A_133 : memref<128xi32, #tpu.memory_space<vmem>>) semaphore(%arg13 : memref<!tpu.dma_semaphore, #tpu.memory_space<semaphore_mem>>)
    %add3A_137 = arith.constant 256 : i32
    %add3A_138 = arith.addi %mul3A_2, %add3A_137 : i32
    %dma_start3A_139 = arith.constant 0 : i32
    %dma_start3A_140 = arith.constant 0 : i32
    %dma_start3A_141 = arith.constant 0 : i32
    %dma_start3A_142 = tpu.memref_slice %arg9[%dma_start3A_139, %dma_start3A_140, %dma_start3A_141] : memref<2x128x128xf32, #tpu.memory_space<vmem>> -> memref<1x128x128xf32, #tpu.memory_space<vmem>>
    %dma_start3A_143 = tpu.memref_squeeze %dma_start3A_142 : memref<1x128x128xf32, #tpu.memory_space<vmem>> -> memref<128x128xf32, #tpu.memory_space<vmem>>
    %dma_start3A_144 = arith.constant 0 : i32
    %dma_start3A_145 = tpu.memref_slice %arg2[%add3A_138, %dma_start3A_144] : memref<16384x128xf32, #tpu.memory_space<hbm>> -> memref<128x128xf32, #tpu.memory_space<hbm>>
    %dma_start3A_146 = arith.constant 0 : i32
    %dma_start3A_147 = arith.constant 0 : i32
    %dma_start3A_148 = tpu.memref_slice %arg9[%dma_start3A_139, %dma_start3A_146, %dma_start3A_147] : memref<2x128x128xf32, #tpu.memory_space<vmem>> -> memref<1x128x128xf32, #tpu.memory_space<vmem>>
    %dma_start3A_149 = tpu.memref_squeeze %dma_start3A_148 : memref<1x128x128xf32, #tpu.memory_space<vmem>> -> memref<128x128xf32, #tpu.memory_space<vmem>>
    %dma_start3A_150 = arith.constant 0 : i32
    %dma_start3A_151 = tpu.memref_slice %arg2[%add3A_138, %dma_start3A_150] : memref<16384x128xf32, #tpu.memory_space<hbm>> -> memref<128x128xf32, #tpu.memory_space<hbm>>
    tpu.enqueue_dma source(%dma_start3A_151 : memref<128x128xf32, #tpu.memory_space<hbm>>) target(%dma_start3A_149 : memref<128x128xf32, #tpu.memory_space<vmem>>) target_semaphore(%arg14 : memref<!tpu.dma_semaphore, #tpu.memory_space<semaphore_mem>>)
    %dma_start3A_152 = arith.constant 0 : i32
    %dma_start3A_153 = arith.constant 0 : i32
    %dma_start3A_154 = arith.constant 0 : i32
    %dma_start3A_155 = tpu.memref_slice %arg10[%dma_start3A_152, %dma_start3A_153, %dma_start3A_154] : memref<2x128x128xf32, #tpu.memory_space<vmem>> -> memref<1x128x128xf32, #tpu.memory_space<vmem>>
    %dma_start3A_156 = tpu.memref_squeeze %dma_start3A_155 : memref<1x128x128xf32, #tpu.memory_space<vmem>> -> memref<128x128xf32, #tpu.memory_space<vmem>>
    %dma_start3A_157 = arith.constant 0 : i32
    %dma_start3A_158 = tpu.memref_slice %arg4[%add3A_138, %dma_start3A_157] : memref<16384x128xf32, #tpu.memory_space<hbm>> -> memref<128x128xf32, #tpu.memory_space<hbm>>
    %dma_start3A_159 = arith.constant 0 : i32
    %dma_start3A_160 = arith.constant 0 : i32
    %dma_start3A_161 = tpu.memref_slice %arg10[%dma_start3A_152, %dma_start3A_159, %dma_start3A_160] : memref<2x128x128xf32, #tpu.memory_space<vmem>> -> memref<1x128x128xf32, #tpu.memory_space<vmem>>
    %dma_start3A_162 = tpu.memref_squeeze %dma_start3A_161 : memref<1x128x128xf32, #tpu.memory_space<vmem>> -> memref<128x128xf32, #tpu.memory_space<vmem>>
    %dma_start3A_163 = arith.constant 0 : i32
    %dma_start3A_164 = tpu.memref_slice %arg4[%add3A_138, %dma_start3A_163] : memref<16384x128xf32, #tpu.memory_space<hbm>> -> memref<128x128xf32, #tpu.memory_space<hbm>>
    tpu.enqueue_dma source(%dma_start3A_164 : memref<128x128xf32, #tpu.memory_space<hbm>>) target(%dma_start3A_162 : memref<128x128xf32, #tpu.memory_space<vmem>>) target_semaphore(%arg15 : memref<!tpu.dma_semaphore, #tpu.memory_space<semaphore_mem>>)
    %dma_wait3A_165 = arith.constant 1 : i32
    %dma_wait3A_166 = arith.constant 0 : i32
    %dma_wait3A_167 = arith.constant 0 : i32
    %dma_wait3A_168 = tpu.memref_slice %arg8[%dma_wait3A_165, %dma_wait3A_166, %dma_wait3A_167] : memref<2x128x128xf32, #tpu.memory_space<vmem>> -> memref<1x128x128xf32, #tpu.memory_space<vmem>>
    %dma_wait3A_169 = tpu.memref_squeeze %dma_wait3A_168 : memref<1x128x128xf32, #tpu.memory_space<vmem>> -> memref<128x128xf32, #tpu.memory_space<vmem>>
    %dma_wait3A_170 = arith.constant 128 : i32
    %dma_wait3A_171 = tpu.memref_slice %arg7[%dma_wait3A_170] : memref<512xi32, #tpu.memory_space<vmem>> -> memref<128xi32, #tpu.memory_space<vmem>>
    %dma_wait3A_172 = arith.constant 0 : i32
    %dma_wait3A_173 = arith.constant 0 : i32
    %dma_wait3A_174 = tpu.memref_slice %arg12[%dma_wait3A_172, %dma_wait3A_173] : memref<1000x128xf32, #tpu.memory_space<vmem_shared>> -> memref<1000x128xf32, #tpu.memory_space<vmem_shared>>
    tpu.wait_indirect_dma semaphore(%arg16 : memref<!tpu.dma_semaphore, #tpu.memory_space<semaphore_mem>>) src(%dma_wait3A_174 : memref<1000x128xf32, #tpu.memory_space<vmem_shared>>) dst(%dma_wait3A_169 : memref<128x128xf32, #tpu.memory_space<vmem>>)
    %dma_wait3A_175 = arith.constant 1 : i32
    %dma_wait3A_176 = arith.constant 0 : i32
    %dma_wait3A_177 = arith.constant 0 : i32
    %dma_wait3A_178 = tpu.memref_slice %arg9[%dma_wait3A_175, %dma_wait3A_176, %dma_wait3A_177] : memref<2x128x128xf32, #tpu.memory_space<vmem>> -> memref<1x128x128xf32, #tpu.memory_space<vmem>>
    %dma_wait3A_179 = tpu.memref_squeeze %dma_wait3A_178 : memref<1x128x128xf32, #tpu.memory_space<vmem>> -> memref<128x128xf32, #tpu.memory_space<vmem>>
    %dma_wait3A_180 = arith.constant 0 : i32
    %dma_wait3A_181 = tpu.memref_slice %arg2[%add3A_57, %dma_wait3A_180] : memref<16384x128xf32, #tpu.memory_space<hbm>> -> memref<128x128xf32, #tpu.memory_space<hbm>>
    %dma_wait3A_182 = arith.constant 0 : i32
    %dma_wait3A_183 = arith.constant 0 : i32
    %dma_wait3A_184 = tpu.memref_slice %arg9[%dma_wait3A_175, %dma_wait3A_182, %dma_wait3A_183] : memref<2x128x128xf32, #tpu.memory_space<vmem>> -> memref<1x128x128xf32, #tpu.memory_space<vmem>>
    %dma_wait3A_185 = tpu.memref_squeeze %dma_wait3A_184 : memref<1x128x128xf32, #tpu.memory_space<vmem>> -> memref<128x128xf32, #tpu.memory_space<vmem>>
    %dma_wait3A_186 = arith.constant 0 : i32
    %dma_wait3A_187 = tpu.memref_slice %arg2[%add3A_57, %dma_wait3A_186] : memref<16384x128xf32, #tpu.memory_space<hbm>> -> memref<128x128xf32, #tpu.memory_space<hbm>>
    tpu.wait_dma2 semaphore(%arg17 : memref<!tpu.dma_semaphore, #tpu.memory_space<semaphore_mem>>) src(%dma_wait3A_187 : memref<128x128xf32, #tpu.memory_space<hbm>>) dst(%dma_wait3A_185 : memref<128x128xf32, #tpu.memory_space<vmem>>)
    %dma_wait3A_188 = arith.constant 1 : i32
    %dma_wait3A_189 = arith.constant 0 : i32
    %dma_wait3A_190 = arith.constant 0 : i32
    %dma_wait3A_191 = tpu.memref_slice %arg10[%dma_wait3A_188, %dma_wait3A_189, %dma_wait3A_190] : memref<2x128x128xf32, #tpu.memory_space<vmem>> -> memref<1x128x128xf32, #tpu.memory_space<vmem>>
    %dma_wait3A_192 = tpu.memref_squeeze %dma_wait3A_191 : memref<1x128x128xf32, #tpu.memory_space<vmem>> -> memref<128x128xf32, #tpu.memory_space<vmem>>
    %dma_wait3A_193 = arith.constant 0 : i32
    %dma_wait3A_194 = tpu.memref_slice %arg4[%add3A_57, %dma_wait3A_193] : memref<16384x128xf32, #tpu.memory_space<hbm>> -> memref<128x128xf32, #tpu.memory_space<hbm>>
    %dma_wait3A_195 = arith.constant 0 : i32
    %dma_wait3A_196 = arith.constant 0 : i32
    %dma_wait3A_197 = tpu.memref_slice %arg10[%dma_wait3A_188, %dma_wait3A_195, %dma_wait3A_196] : memref<2x128x128xf32, #tpu.memory_space<vmem>> -> memref<1x128x128xf32, #tpu.memory_space<vmem>>
    %dma_wait3A_198 = tpu.memref_squeeze %dma_wait3A_197 : memref<1x128x128xf32, #tpu.memory_space<vmem>> -> memref<128x128xf32, #tpu.memory_space<vmem>>
    %dma_wait3A_199 = arith.constant 0 : i32
    %dma_wait3A_200 = tpu.memref_slice %arg4[%add3A_57, %dma_wait3A_199] : memref<16384x128xf32, #tpu.memory_space<hbm>> -> memref<128x128xf32, #tpu.memory_space<hbm>>
    tpu.wait_dma2 semaphore(%arg18 : memref<!tpu.dma_semaphore, #tpu.memory_space<semaphore_mem>>) src(%dma_wait3A_200 : memref<128x128xf32, #tpu.memory_space<hbm>>) dst(%dma_wait3A_198 : memref<128x128xf32, #tpu.memory_space<vmem>>)
    %scan3A_201 = arith.constant 0 : i32
    %scan3A_202 = arith.constant 0 : i32
    %scan3A_203 = arith.constant 8 : i32
    %scan3A_204 = arith.addi %scan3A_202, %scan3A_203 : i32
    %scan3A_205 = arith.constant 1 : i32
    %scan3A_206 = scf.for %scan3A_341 = %scan3A_202 to %scan3A_204 step %scan3A_205 iter_args(%scan3A_342 = %scan3A_201) -> (i32)  : i32 {
      %mul3A_343 = arith.constant 16 : i32
      %mul3A_344 = arith.muli %scan3A_341, %mul3A_343 : i32
      %broadcast_in_dim3A = arith.constant 0.000000e+00 : f32
      %broadcast_in_dim3A_345 = vector.broadcast %broadcast_in_dim3A : f32 to vector<16xf32>
      %scan3A_346 = arith.constant 0 : i32
      %scan3A_347 = arith.constant 16 : i32
      %scan3A_348 = arith.addi %scan3A_346, %scan3A_347 : i32
      %scan3A_349 = arith.constant 1 : i32
      %scan3A_350 = scf.for %scan3A_358 = %scan3A_346 to %scan3A_348 step %scan3A_349 iter_args(%scan3A_359 = %broadcast_in_dim3A_345) -> (vector<16xf32>)  : i32 {
        %add3A_360 = arith.addi %mul3A_344, %scan3A_358 : i32
        %get3A = arith.constant 1 : i32
        %get3A_361 = arith.index_cast %get3A : i32 to index
        %get3A_362 = arith.index_cast %add3A_360 : i32 to index
        %get3A_363 = arith.constant 0 : index
        %get3A_364 = tpu.vector_load %arg9[%get3A_361, %get3A_362, %get3A_363] {strides = array<i32>} : memref<2x128x128xf32, #tpu.memory_space<vmem>>, vector<1x1x16xf32>,
        %get3A_365 = vector.shape_cast %get3A_364 : vector<1x1x16xf32> to vector<16xf32>
        %get3A_366 = arith.constant 1 : i32
        %get3A_367 = arith.index_cast %get3A_366 : i32 to index
        %get3A_368 = arith.index_cast %add3A_360 : i32 to index
        %get3A_369 = arith.constant 0 : index
        %get3A_370 = tpu.vector_load %arg8[%get3A_367, %get3A_368, %get3A_369] {strides = array<i32>} : memref<2x128x128xf32, #tpu.memory_space<vmem>>, vector<1x1x16xf32>,
        %get3A_371 = vector.shape_cast %get3A_370 : vector<1x1x16xf32> to vector<16xf32>
        %mul3A_372 = arith.mulf %get3A_365, %get3A_371 : vector<16xf32>
        %get3A_373 = arith.constant 1 : i32
        %get3A_374 = arith.index_cast %get3A_373 : i32 to index
        %get3A_375 = arith.index_cast %add3A_360 : i32 to index
        %get3A_376 = arith.constant 0 : index
        %get3A_377 = tpu.vector_load %arg10[%get3A_374, %get3A_375, %get3A_376] {strides = array<i32>} : memref<2x128x128xf32, #tpu.memory_space<vmem>>, vector<1x1x16xf32>,
        %get3A_378 = vector.shape_cast %get3A_377 : vector<1x1x16xf32> to vector<16xf32>
        %mul3A_379 = arith.mulf %mul3A_372, %get3A_378 : vector<16xf32>
        %get3A_380 = arith.constant 1 : i32
        %get3A_381 = arith.index_cast %get3A_380 : i32 to index
        %get3A_382 = arith.index_cast %add3A_360 : i32 to index
        %get3A_383 = arith.constant 16 : index
        %get3A_384 = tpu.vector_load %arg9[%get3A_381, %get3A_382, %get3A_383] {strides = array<i32>} : memref<2x128x128xf32, #tpu.memory_space<vmem>>, vector<1x1x16xf32>,
        %get3A_385 = vector.shape_cast %get3A_384 : vector<1x1x16xf32> to vector<16xf32>
        %get3A_386 = arith.constant 1 : i32
        %get3A_387 = arith.index_cast %get3A_386 : i32 to index
        %get3A_388 = arith.index_cast %add3A_360 : i32 to index
        %get3A_389 = arith.constant 16 : index
        %get3A_390 = tpu.vector_load %arg8[%get3A_387, %get3A_388, %get3A_389] {strides = array<i32>} : memref<2x128x128xf32, #tpu.memory_space<vmem>>, vector<1x1x16xf32>,
        %get3A_391 = vector.shape_cast %get3A_390 : vector<1x1x16xf32> to vector<16xf32>
        %mul3A_392 = arith.mulf %get3A_385, %get3A_391 : vector<16xf32>
        %get3A_393 = arith.constant 1 : i32
        %get3A_394 = arith.index_cast %get3A_393 : i32 to index
        %get3A_395 = arith.index_cast %add3A_360 : i32 to index
        %get3A_396 = arith.constant 16 : index
        %get3A_397 = tpu.vector_load %arg10[%get3A_394, %get3A_395, %get3A_396] {strides = array<i32>} : memref<2x128x128xf32, #tpu.memory_space<vmem>>, vector<1x1x16xf32>,
        %get3A_398 = vector.shape_cast %get3A_397 : vector<1x1x16xf32> to vector<16xf32>
        %mul3A_399 = arith.mulf %mul3A_392, %get3A_398 : vector<16xf32>
        %get3A_400 = arith.constant 1 : i32
        %get3A_401 = arith.index_cast %get3A_400 : i32 to index
        %get3A_402 = arith.index_cast %add3A_360 : i32 to index
        %get3A_403 = arith.constant 32 : index
        %get3A_404 = tpu.vector_load %arg9[%get3A_401, %get3A_402, %get3A_403] {strides = array<i32>} : memref<2x128x128xf32, #tpu.memory_space<vmem>>, vector<1x1x16xf32>,
        %get3A_405 = vector.shape_cast %get3A_404 : vector<1x1x16xf32> to vector<16xf32>
        %get3A_406 = arith.constant 1 : i32
        %get3A_407 = arith.index_cast %get3A_406 : i32 to index
        %get3A_408 = arith.index_cast %add3A_360 : i32 to index
        %get3A_409 = arith.constant 32 : index
        %get3A_410 = tpu.vector_load %arg8[%get3A_407, %get3A_408, %get3A_409] {strides = array<i32>} : memref<2x128x128xf32, #tpu.memory_space<vmem>>, vector<1x1x16xf32>,
        %get3A_411 = vector.shape_cast %get3A_410 : vector<1x1x16xf32> to vector<16xf32>
        %mul3A_412 = arith.mulf %get3A_405, %get3A_411 : vector<16xf32>
        %get3A_413 = arith.constant 1 : i32
        %get3A_414 = arith.index_cast %get3A_413 : i32 to index
        %get3A_415 = arith.index_cast %add3A_360 : i32 to index
        %get3A_416 = arith.constant 32 : index
        %get3A_417 = tpu.vector_load %arg10[%get3A_414, %get3A_415, %get3A_416] {strides = array<i32>} : memref<2x128x128xf32, #tpu.memory_space<vmem>>, vector<1x1x16xf32>,
        %get3A_418 = vector.shape_cast %get3A_417 : vector<1x1x16xf32> to vector<16xf32>
        %mul3A_419 = arith.mulf %mul3A_412, %get3A_418 : vector<16xf32>
        %add3A_420 = arith.addf %mul3A_379, %mul3A_419 : vector<16xf32>
        %get3A_421 = arith.constant 1 : i32
        %get3A_422 = arith.index_cast %get3A_421 : i32 to index
        %get3A_423 = arith.index_cast %add3A_360 : i32 to index
        %get3A_424 = arith.constant 48 : index
        %get3A_425 = tpu.vector_load %arg9[%get3A_422, %get3A_423, %get3A_424] {strides = array<i32>} : memref<2x128x128xf32, #tpu.memory_space<vmem>>, vector<1x1x16xf32>,
        %get3A_426 = vector.shape_cast %get3A_425 : vector<1x1x16xf32> to vector<16xf32>
        %get3A_427 = arith.constant 1 : i32
        %get3A_428 = arith.index_cast %get3A_427 : i32 to index
        %get3A_429 = arith.index_cast %add3A_360 : i32 to index
        %get3A_430 = arith.constant 48 : index
        %get3A_431 = tpu.vector_load %arg8[%get3A_428, %get3A_429, %get3A_430] {strides = array<i32>} : memref<2x128x128xf32, #tpu.memory_space<vmem>>, vector<1x1x16xf32>,
        %get3A_432 = vector.shape_cast %get3A_431 : vector<1x1x16xf32> to vector<16xf32>
        %mul3A_433 = arith.mulf %get3A_426, %get3A_432 : vector<16xf32>
        %get3A_434 = arith.constant 1 : i32
        %get3A_435 = arith.index_cast %get3A_434 : i32 to index
        %get3A_436 = arith.index_cast %add3A_360 : i32 to index
        %get3A_437 = arith.constant 48 : index
        %get3A_438 = tpu.vector_load %arg10[%get3A_435, %get3A_436, %get3A_437] {strides = array<i32>} : memref<2x128x128xf32, #tpu.memory_space<vmem>>, vector<1x1x16xf32>,
        %get3A_439 = vector.shape_cast %get3A_438 : vector<1x1x16xf32> to vector<16xf32>
        %mul3A_440 = arith.mulf %mul3A_433, %get3A_439 : vector<16xf32>
        %add3A_441 = arith.addf %mul3A_399, %mul3A_440 : vector<16xf32>
        %get3A_442 = arith.constant 1 : i32
        %get3A_443 = arith.index_cast %get3A_442 : i32 to index
        %get3A_444 = arith.index_cast %add3A_360 : i32 to index
        %get3A_445 = arith.constant 64 : index
        %get3A_446 = tpu.vector_load %arg9[%get3A_443, %get3A_444, %get3A_445] {strides = array<i32>} : memref<2x128x128xf32, #tpu.memory_space<vmem>>, vector<1x1x16xf32>,
        %get3A_447 = vector.shape_cast %get3A_446 : vector<1x1x16xf32> to vector<16xf32>
        %get3A_448 = arith.constant 1 : i32
        %get3A_449 = arith.index_cast %get3A_448 : i32 to index
        %get3A_450 = arith.index_cast %add3A_360 : i32 to index
        %get3A_451 = arith.constant 64 : index
        %get3A_452 = tpu.vector_load %arg8[%get3A_449, %get3A_450, %get3A_451] {strides = array<i32>} : memref<2x128x128xf32, #tpu.memory_space<vmem>>, vector<1x1x16xf32>,
        %get3A_453 = vector.shape_cast %get3A_452 : vector<1x1x16xf32> to vector<16xf32>
        %mul3A_454 = arith.mulf %get3A_447, %get3A_453 : vector<16xf32>
        %get3A_455 = arith.constant 1 : i32
        %get3A_456 = arith.index_cast %get3A_455 : i32 to index
        %get3A_457 = arith.index_cast %add3A_360 : i32 to index
        %get3A_458 = arith.constant 64 : index
        %get3A_459 = tpu.vector_load %arg10[%get3A_456, %get3A_457, %get3A_458] {strides = array<i32>} : memref<2x128x128xf32, #tpu.memory_space<vmem>>, vector<1x1x16xf32>,
        %get3A_460 = vector.shape_cast %get3A_459 : vector<1x1x16xf32> to vector<16xf32>
        %mul3A_461 = arith.mulf %mul3A_454, %get3A_460 : vector<16xf32>
        %add3A_462 = arith.addf %add3A_420, %mul3A_461 : vector<16xf32>
        %get3A_463 = arith.constant 1 : i32
        %get3A_464 = arith.index_cast %get3A_463 : i32 to index
        %get3A_465 = arith.index_cast %add3A_360 : i32 to index
        %get3A_466 = arith.constant 80 : index
        %get3A_467 = tpu.vector_load %arg9[%get3A_464, %get3A_465, %get3A_466] {strides = array<i32>} : memref<2x128x128xf32, #tpu.memory_space<vmem>>, vector<1x1x16xf32>,
        %get3A_468 = vector.shape_cast %get3A_467 : vector<1x1x16xf32> to vector<16xf32>
        %get3A_469 = arith.constant 1 : i32
        %get3A_470 = arith.index_cast %get3A_469 : i32 to index
        %get3A_471 = arith.index_cast %add3A_360 : i32 to index
        %get3A_472 = arith.constant 80 : index
        %get3A_473 = tpu.vector_load %arg8[%get3A_470, %get3A_471, %get3A_472] {strides = array<i32>} : memref<2x128x128xf32, #tpu.memory_space<vmem>>, vector<1x1x16xf32>,
        %get3A_474 = vector.shape_cast %get3A_473 : vector<1x1x16xf32> to vector<16xf32>
        %mul3A_475 = arith.mulf %get3A_468, %get3A_474 : vector<16xf32>
        %get3A_476 = arith.constant 1 : i32
        %get3A_477 = arith.index_cast %get3A_476 : i32 to index
        %get3A_478 = arith.index_cast %add3A_360 : i32 to index
        %get3A_479 = arith.constant 80 : index
        %get3A_480 = tpu.vector_load %arg10[%get3A_477, %get3A_478, %get3A_479] {strides = array<i32>} : memref<2x128x128xf32, #tpu.memory_space<vmem>>, vector<1x1x16xf32>,
        %get3A_481 = vector.shape_cast %get3A_480 : vector<1x1x16xf32> to vector<16xf32>
        %mul3A_482 = arith.mulf %mul3A_475, %get3A_481 : vector<16xf32>
        %add3A_483 = arith.addf %add3A_441, %mul3A_482 : vector<16xf32>
        %get3A_484 = arith.constant 1 : i32
        %get3A_485 = arith.index_cast %get3A_484 : i32 to index
        %get3A_486 = arith.index_cast %add3A_360 : i32 to index
        %get3A_487 = arith.constant 96 : index
        %get3A_488 = tpu.vector_load %arg9[%get3A_485, %get3A_486, %get3A_487] {strides = array<i32>} : memref<2x128x128xf32, #tpu.memory_space<vmem>>, vector<1x1x16xf32>,
        %get3A_489 = vector.shape_cast %get3A_488 : vector<1x1x16xf32> to vector<16xf32>
        %get3A_490 = arith.constant 1 : i32
        %get3A_491 = arith.index_cast %get3A_490 : i32 to index
        %get3A_492 = arith.index_cast %add3A_360 : i32 to index
        %get3A_493 = arith.constant 96 : index
        %get3A_494 = tpu.vector_load %arg8[%get3A_491, %get3A_492, %get3A_493] {strides = array<i32>} : memref<2x128x128xf32, #tpu.memory_space<vmem>>, vector<1x1x16xf32>,
        %get3A_495 = vector.shape_cast %get3A_494 : vector<1x1x16xf32> to vector<16xf32>
        %mul3A_496 = arith.mulf %get3A_489, %get3A_495 : vector<16xf32>
        %get3A_497 = arith.constant 1 : i32
        %get3A_498 = arith.index_cast %get3A_497 : i32 to index
        %get3A_499 = arith.index_cast %add3A_360 : i32 to index
        %get3A_500 = arith.constant 96 : index
        %get3A_501 = tpu.vector_load %arg10[%get3A_498, %get3A_499, %get3A_500] {strides = array<i32>} : memref<2x128x128xf32, #tpu.memory_space<vmem>>, vector<1x1x16xf32>,
        %get3A_502 = vector.shape_cast %get3A_501 : vector<1x1x16xf32> to vector<16xf32>
        %mul3A_503 = arith.mulf %mul3A_496, %get3A_502 : vector<16xf32>
        %add3A_504 = arith.addf %add3A_462, %mul3A_503 : vector<16xf32>
        %get3A_505 = arith.constant 1 : i32
        %get3A_506 = arith.index_cast %get3A_505 : i32 to index
        %get3A_507 = arith.index_cast %add3A_360 : i32 to index
        %get3A_508 = arith.constant 112 : index
        %get3A_509 = tpu.vector_load %arg9[%get3A_506, %get3A_507, %get3A_508] {strides = array<i32>} : memref<2x128x128xf32, #tpu.memory_space<vmem>>, vector<1x1x16xf32>,
        %get3A_510 = vector.shape_cast %get3A_509 : vector<1x1x16xf32> to vector<16xf32>
        %get3A_511 = arith.constant 1 : i32
        %get3A_512 = arith.index_cast %get3A_511 : i32 to index
        %get3A_513 = arith.index_cast %add3A_360 : i32 to index
        %get3A_514 = arith.constant 112 : index
        %get3A_515 = tpu.vector_load %arg8[%get3A_512, %get3A_513, %get3A_514] {strides = array<i32>} : memref<2x128x128xf32, #tpu.memory_space<vmem>>, vector<1x1x16xf32>,
        %get3A_516 = vector.shape_cast %get3A_515 : vector<1x1x16xf32> to vector<16xf32>
        %mul3A_517 = arith.mulf %get3A_510, %get3A_516 : vector<16xf32>
        %get3A_518 = arith.constant 1 : i32
        %get3A_519 = arith.index_cast %get3A_518 : i32 to index
        %get3A_520 = arith.index_cast %add3A_360 : i32 to index
        %get3A_521 = arith.constant 112 : index
        %get3A_522 = tpu.vector_load %arg10[%get3A_519, %get3A_520, %get3A_521] {strides = array<i32>} : memref<2x128x128xf32, #tpu.memory_space<vmem>>, vector<1x1x16xf32>,
        %get3A_523 = vector.shape_cast %get3A_522 : vector<1x1x16xf32> to vector<16xf32>
        %mul3A_524 = arith.mulf %mul3A_517, %get3A_523 : vector<16xf32>
        %add3A_525 = arith.addf %add3A_483, %mul3A_524 : vector<16xf32>
        %add3A_526 = arith.addf %add3A_504, %add3A_525 : vector<16xf32>
        %xor3A = arith.constant 8 : i32
        %xor3A_527 = vector.broadcast %xor3A : i32 to vector<16xi32>
        %xor3A_528 = arith.xori %iota3A, %xor3A_527 : vector<16xi32>
        %broadcast_in_dim3A_529 = vector.shape_cast %xor3A_528 : vector<16xi32> to vector<16x1xi32>
        %gather3A = vector.shape_cast %broadcast_in_dim3A_529 : vector<16x1xi32> to vector<16xi32>
        %gather3A_530 = tpu.dynamic_gather %add3A_526[%gather3A] in [0] : vector<16xf32>, vector<16xi32> -> vector<16xf32>
        %add3A_531 = arith.addf %add3A_526, %gather3A_530 : vector<16xf32>
        %xor3A_532 = arith.constant 4 : i32
        %xor3A_533 = vector.broadcast %xor3A_532 : i32 to vector<16xi32>
        %xor3A_534 = arith.xori %iota3A, %xor3A_533 : vector<16xi32>
        %broadcast_in_dim3A_535 = vector.shape_cast %xor3A_534 : vector<16xi32> to vector<16x1xi32>
        %gather3A_536 = vector.shape_cast %broadcast_in_dim3A_535 : vector<16x1xi32> to vector<16xi32>
        %gather3A_537 = tpu.dynamic_gather %add3A_531[%gather3A_536] in [0] : vector<16xf32>, vector<16xi32> -> vector<16xf32>
        %add3A_538 = arith.addf %add3A_531, %gather3A_537 : vector<16xf32>
        %xor3A_539 = arith.constant 2 : i32
        %xor3A_540 = vector.broadcast %xor3A_539 : i32 to vector<16xi32>
        %xor3A_541 = arith.xori %iota3A, %xor3A_540 : vector<16xi32>
        %broadcast_in_dim3A_542 = vector.shape_cast %xor3A_541 : vector<16xi32> to vector<16x1xi32>
        %gather3A_543 = vector.shape_cast %broadcast_in_dim3A_542 : vector<16x1xi32> to vector<16xi32>
        %gather3A_544 = tpu.dynamic_gather %add3A_538[%gather3A_543] in [0] : vector<16xf32>, vector<16xi32> -> vector<16xf32>
        %add3A_545 = arith.addf %add3A_538, %gather3A_544 : vector<16xf32>
        %xor3A_546 = arith.constant 1 : i32
        %xor3A_547 = vector.broadcast %xor3A_546 : i32 to vector<16xi32>
        %xor3A_548 = arith.xori %iota3A, %xor3A_547 : vector<16xi32>
        %broadcast_in_dim3A_549 = vector.shape_cast %xor3A_548 : vector<16xi32> to vector<16x1xi32>
        %gather3A_550 = vector.shape_cast %broadcast_in_dim3A_549 : vector<16x1xi32> to vector<16xi32>
        %gather3A_551 = tpu.dynamic_gather %add3A_545[%gather3A_550] in [0] : vector<16xf32>, vector<16xi32> -> vector<16xf32>
        %add3A_552 = arith.addf %add3A_545, %gather3A_551 : vector<16xf32>
        %eq3A_553 = vector.broadcast %scan3A_358 : i32 to vector<16xi32>
        %eq3A_554 = arith.cmpi eq, %iota3A, %eq3A_553 : vector<16xi32>
        %select_n3A = arith.select %eq3A_554, %add3A_552, %scan3A_359 : vector<16xi1>, vector<16xf32>
        scf.yield %select_n3A : vector<16xf32>
      }
      %scan3A_351 = arith.constant 16 : i32
      %swap3A = arith.constant 1 : i32
      %swap3A_352 = arith.index_cast %swap3A : i32 to index
      %swap3A_353 = arith.index_cast %mul3A_344 : i32 to index
      %swap3A_354 = tpu.vector_load %arg11[%swap3A_352, %swap3A_353] {strides = array<i32>} : memref<2x128xf32, #tpu.memory_space<vmem>>, vector<1x16xf32>,
      %swap3A_355 = vector.shape_cast %swap3A_354 : vector<1x16xf32> to vector<16xf32>
      %swap3A_356 = vector.shape_cast %scan3A_350 : vector<16xf32> to vector<1x16xf32>
      tpu.vector_store %arg11[%swap3A_352, %swap3A_353], %swap3A_356 {strides = array<i32>} : memref<2x128xf32, #tpu.memory_space<vmem>>, vector<1x16xf32>,
      %scan3A_357 = arith.constant 0 : i32
      scf.yield %scan3A_357 : i32
    }
    %scan3A_207 = arith.constant 8 : i32
    %add3A_208 = arith.constant 128 : i32
    %add3A_209 = arith.addi %mul3A_2, %add3A_208 : i32
    %run_scoped3A_210 = arith.constant 1 : i32
    "tpu.region"() ({
      %run_scoped3A_341 = tpu.sem_alloc : memref<!tpu.dma_semaphore, #tpu.memory_space<semaphore_mem>>
      %dma_start3A_342 = arith.constant 0 : i32
      %dma_start3A_343 = tpu.memref_slice %arg11[%run_scoped3A_210, %dma_start3A_342] : memref<2x128xf32, #tpu.memory_space<vmem>> -> memref<1x128xf32, #tpu.memory_space<vmem>>
      %dma_start3A_344 = tpu.memref_squeeze %dma_start3A_343 : memref<1x128xf32, #tpu.memory_space<vmem>> -> memref<128xf32, #tpu.memory_space<vmem>>
      %dma_start3A_345 = tpu.memref_slice %arg6[%add3A_209] : memref<16384xf32, #tpu.memory_space<hbm>> -> memref<128xf32, #tpu.memory_space<hbm>>
      %dma_start3A_346 = tpu.memref_slice %arg6[%add3A_209] : memref<16384xf32, #tpu.memory_space<hbm>> -> memref<128xf32, #tpu.memory_space<hbm>>
      %dma_start3A_347 = arith.constant 0 : i32
      %dma_start3A_348 = tpu.memref_slice %arg11[%run_scoped3A_210, %dma_start3A_347] : memref<2x128xf32, #tpu.memory_space<vmem>> -> memref<1x128xf32, #tpu.memory_space<vmem>>
      %dma_start3A_349 = tpu.memref_squeeze %dma_start3A_348 : memref<1x128xf32, #tpu.memory_space<vmem>> -> memref<128xf32, #tpu.memory_space<vmem>>
      tpu.enqueue_dma source(%dma_start3A_349 : memref<128xf32, #tpu.memory_space<vmem>>) target(%dma_start3A_346 : memref<128xf32, #tpu.memory_space<hbm>>) target_semaphore(%run_scoped3A_341 : memref<!tpu.dma_semaphore, #tpu.memory_space<semaphore_mem>>)
      %dma_wait3A_350 = arith.constant 0 : i32
      %dma_wait3A_351 = tpu.memref_slice %arg11[%run_scoped3A_210, %dma_wait3A_350] : memref<2x128xf32, #tpu.memory_space<vmem>> -> memref<1x128xf32, #tpu.memory_space<vmem>>
      %dma_wait3A_352 = tpu.memref_squeeze %dma_wait3A_351 : memref<1x128xf32, #tpu.memory_space<vmem>> -> memref<128xf32, #tpu.memory_space<vmem>>
      %dma_wait3A_353 = tpu.memref_slice %arg6[%add3A_209] : memref<16384xf32, #tpu.memory_space<hbm>> -> memref<128xf32, #tpu.memory_space<hbm>>
      %dma_wait3A_354 = tpu.memref_slice %arg6[%add3A_209] : memref<16384xf32, #tpu.memory_space<hbm>> -> memref<128xf32, #tpu.memory_space<hbm>>
      %dma_wait3A_355 = arith.constant 0 : i32
      %dma_wait3A_356 = tpu.memref_slice %arg11[%run_scoped3A_210, %dma_wait3A_355] : memref<2x128xf32, #tpu.memory_space<vmem>> -> memref<1x128xf32, #tpu.memory_space<vmem>>
      %dma_wait3A_357 = tpu.memref_squeeze %dma_wait3A_356 : memref<1x128xf32, #tpu.memory_space<vmem>> -> memref<128xf32, #tpu.memory_space<vmem>>
      tpu.wait_dma2 semaphore(%run_scoped3A_341 : memref<!tpu.dma_semaphore, #tpu.memory_space<semaphore_mem>>) src(%dma_wait3A_357 : memref<128xf32, #tpu.memory_space<vmem>>) dst(%dma_wait3A_354 : memref<128xf32, #tpu.memory_space<hbm>>)
      tpu.yield
    }) : () -> ()
    %dma_start3A_211 = arith.constant 1 : i32
    %dma_start3A_212 = arith.constant 0 : i32
    %dma_start3A_213 = arith.constant 0 : i32
    %dma_start3A_214 = tpu.memref_slice %arg8[%dma_start3A_211, %dma_start3A_212, %dma_start3A_213] : memref<2x128x128xf32, #tpu.memory_space<vmem>> -> memref<1x128x128xf32, #tpu.memory_space<vmem>>
    %dma_start3A_215 = tpu.memref_squeeze %dma_start3A_214 : memref<1x128x128xf32, #tpu.memory_space<vmem>> -> memref<128x128xf32, #tpu.memory_space<vmem>>
    %dma_start3A_216 = arith.constant 384 : i32
    %dma_start3A_217 = tpu.memref_slice %arg7[%dma_start3A_216] : memref<512xi32, #tpu.memory_space<vmem>> -> memref<128xi32, #tpu.memory_space<vmem>>
    %dma_start3A_218 = arith.constant 0 : i32
    %dma_start3A_219 = arith.constant 0 : i32
    %dma_start3A_220 = tpu.memref_slice %arg12[%dma_start3A_218, %dma_start3A_219] : memref<1000x128xf32, #tpu.memory_space<vmem_shared>> -> memref<1000x128xf32, #tpu.memory_space<vmem_shared>>
    tpu.enqueue_indirect_dma source(%dma_start3A_220 : memref<1000x128xf32, #tpu.memory_space<vmem_shared>>) target(%dma_start3A_215 : memref<128x128xf32, #tpu.memory_space<vmem>>) offsets(%dma_start3A_217 : memref<128xi32, #tpu.memory_space<vmem>>) semaphore(%arg16 : memref<!tpu.dma_semaphore, #tpu.memory_space<semaphore_mem>>)
    %add3A_221 = arith.constant 384 : i32
    %add3A_222 = arith.addi %mul3A_2, %add3A_221 : i32
    %dma_start3A_223 = arith.constant 1 : i32
    %dma_start3A_224 = arith.constant 0 : i32
    %dma_start3A_225 = arith.constant 0 : i32
    %dma_start3A_226 = tpu.memref_slice %arg9[%dma_start3A_223, %dma_start3A_224, %dma_start3A_225] : memref<2x128x128xf32, #tpu.memory_space<vmem>> -> memref<1x128x128xf32, #tpu.memory_space<vmem>>
    %dma_start3A_227 = tpu.memref_squeeze %dma_start3A_226 : memref<1x128x128xf32, #tpu.memory_space<vmem>> -> memref<128x128xf32, #tpu.memory_space<vmem>>
    %dma_start3A_228 = arith.constant 0 : i32
    %dma_start3A_229 = tpu.memref_slice %arg2[%add3A_222, %dma_start3A_228] : memref<16384x128xf32, #tpu.memory_space<hbm>> -> memref<128x128xf32, #tpu.memory_space<hbm>>
    %dma_start3A_230 = arith.constant 0 : i32
    %dma_start3A_231 = arith.constant 0 : i32
    %dma_start3A_232 = tpu.memref_slice %arg9[%dma_start3A_223, %dma_start3A_230, %dma_start3A_231] : memref<2x128x128xf32, #tpu.memory_space<vmem>> -> memref<1x128x128xf32, #tpu.memory_space<vmem>>
    %dma_start3A_233 = tpu.memref_squeeze %dma_start3A_232 : memref<1x128x128xf32, #tpu.memory_space<vmem>> -> memref<128x128xf32, #tpu.memory_space<vmem>>
    %dma_start3A_234 = arith.constant 0 : i32
    %dma_start3A_235 = tpu.memref_slice %arg2[%add3A_222, %dma_start3A_234] : memref<16384x128xf32, #tpu.memory_space<hbm>> -> memref<128x128xf32, #tpu.memory_space<hbm>>
    tpu.enqueue_dma source(%dma_start3A_235 : memref<128x128xf32, #tpu.memory_space<hbm>>) target(%dma_start3A_233 : memref<128x128xf32, #tpu.memory_space<vmem>>) target_semaphore(%arg17 : memref<!tpu.dma_semaphore, #tpu.memory_space<semaphore_mem>>)
    %dma_start3A_236 = arith.constant 1 : i32
    %dma_start3A_237 = arith.constant 0 : i32
    %dma_start3A_238 = arith.constant 0 : i32
    %dma_start3A_239 = tpu.memref_slice %arg10[%dma_start3A_236, %dma_start3A_237, %dma_start3A_238] : memref<2x128x128xf32, #tpu.memory_space<vmem>> -> memref<1x128x128xf32, #tpu.memory_space<vmem>>
    %dma_start3A_240 = tpu.memref_squeeze %dma_start3A_239 : memref<1x128x128xf32, #tpu.memory_space<vmem>> -> memref<128x128xf32, #tpu.memory_space<vmem>>
    %dma_start3A_241 = arith.constant 0 : i32
    %dma_start3A_242 = tpu.memref_slice %arg4[%add3A_222, %dma_start3A_241] : memref<16384x128xf32, #tpu.memory_space<hbm>> -> memref<128x128xf32, #tpu.memory_space<hbm>>
    %dma_start3A_243 = arith.constant 0 : i32
    %dma_start3A_244 = arith.constant 0 : i32
    %dma_start3A_245 = tpu.memref_slice %arg10[%dma_start3A_236, %dma_start3A_243, %dma_start3A_244] : memref<2x128x128xf32, #tpu.memory_space<vmem>> -> memref<1x128x128xf32, #tpu.memory_space<vmem>>
    %dma_start3A_246 = tpu.memref_squeeze %dma_start3A_245 : memref<1x128x128xf32, #tpu.memory_space<vmem>> -> memref<128x128xf32, #tpu.memory_space<vmem>>
    %dma_start3A_247 = arith.constant 0 : i32
    %dma_start3A_248 = tpu.memref_slice %arg4[%add3A_222, %dma_start3A_247] : memref<16384x128xf32, #tpu.memory_space<hbm>> -> memref<128x128xf32, #tpu.memory_space<hbm>>
    tpu.enqueue_dma source(%dma_start3A_248 : memref<128x128xf32, #tpu.memory_space<hbm>>) target(%dma_start3A_246 : memref<128x128xf32, #tpu.memory_space<vmem>>) target_semaphore(%arg18 : memref<!tpu.dma_semaphore, #tpu.memory_space<semaphore_mem>>)
    %dma_wait3A_249 = arith.constant 0 : i32
    %dma_wait3A_250 = arith.constant 0 : i32
    %dma_wait3A_251 = arith.constant 0 : i32
    %dma_wait3A_252 = tpu.memref_slice %arg8[%dma_wait3A_249, %dma_wait3A_250, %dma_wait3A_251] : memref<2x128x128xf32, #tpu.memory_space<vmem>> -> memref<1x128x128xf32, #tpu.memory_space<vmem>>
    %dma_wait3A_253 = tpu.memref_squeeze %dma_wait3A_252 : memref<1x128x128xf32, #tpu.memory_space<vmem>> -> memref<128x128xf32, #tpu.memory_space<vmem>>
    %dma_wait3A_254 = arith.constant 256 : i32
    %dma_wait3A_255 = tpu.memref_slice %arg7[%dma_wait3A_254] : memref<512xi32, #tpu.memory_space<vmem>> -> memref<128xi32, #tpu.memory_space<vmem>>
    %dma_wait3A_256 = arith.constant 0 : i32
    %dma_wait3A_257 = arith.constant 0 : i32
    %dma_wait3A_258 = tpu.memref_slice %arg12[%dma_wait3A_256, %dma_wait3A_257] : memref<1000x128xf32, #tpu.memory_space<vmem_shared>> -> memref<1000x128xf32, #tpu.memory_space<vmem_shared>>
    tpu.wait_indirect_dma semaphore(%arg13 : memref<!tpu.dma_semaphore, #tpu.memory_space<semaphore_mem>>) src(%dma_wait3A_258 : memref<1000x128xf32, #tpu.memory_space<vmem_shared>>) dst(%dma_wait3A_253 : memref<128x128xf32, #tpu.memory_space<vmem>>)
    %dma_wait3A_259 = arith.constant 0 : i32
    %dma_wait3A_260 = arith.constant 0 : i32
    %dma_wait3A_261 = arith.constant 0 : i32
    %dma_wait3A_262 = tpu.memref_slice %arg9[%dma_wait3A_259, %dma_wait3A_260, %dma_wait3A_261] : memref<2x128x128xf32, #tpu.memory_space<vmem>> -> memref<1x128x128xf32, #tpu.memory_space<vmem>>
    %dma_wait3A_263 = tpu.memref_squeeze %dma_wait3A_262 : memref<1x128x128xf32, #tpu.memory_space<vmem>> -> memref<128x128xf32, #tpu.memory_space<vmem>>
    %dma_wait3A_264 = arith.constant 0 : i32
    %dma_wait3A_265 = tpu.memref_slice %arg2[%add3A_138, %dma_wait3A_264] : memref<16384x128xf32, #tpu.memory_space<hbm>> -> memref<128x128xf32, #tpu.memory_space<hbm>>
    %dma_wait3A_266 = arith.constant 0 : i32
    %dma_wait3A_267 = arith.constant 0 : i32
    %dma_wait3A_268 = tpu.memref_slice %arg9[%dma_wait3A_259, %dma_wait3A_266, %dma_wait3A_267] : memref<2x128x128xf32, #tpu.memory_space<vmem>> -> memref<1x128x128xf32, #tpu.memory_space<vmem>>
    %dma_wait3A_269 = tpu.memref_squeeze %dma_wait3A_268 : memref<1x128x128xf32, #tpu.memory_space<vmem>> -> memref<128x128xf32, #tpu.memory_space<vmem>>
    %dma_wait3A_270 = arith.constant 0 : i32
    %dma_wait3A_271 = tpu.memref_slice %arg2[%add3A_138, %dma_wait3A_270] : memref<16384x128xf32, #tpu.memory_space<hbm>> -> memref<128x128xf32, #tpu.memory_space<hbm>>
    tpu.wait_dma2 semaphore(%arg14 : memref<!tpu.dma_semaphore, #tpu.memory_space<semaphore_mem>>) src(%dma_wait3A_271 : memref<128x128xf32, #tpu.memory_space<hbm>>) dst(%dma_wait3A_269 : memref<128x128xf32, #tpu.memory_space<vmem>>)
    %dma_wait3A_272 = arith.constant 0 : i32
    %dma_wait3A_273 = arith.constant 0 : i32
    %dma_wait3A_274 = arith.constant 0 : i32
    %dma_wait3A_275 = tpu.memref_slice %arg10[%dma_wait3A_272, %dma_wait3A_273, %dma_wait3A_274] : memref<2x128x128xf32, #tpu.memory_space<vmem>> -> memref<1x128x128xf32, #tpu.memory_space<vmem>>
    %dma_wait3A_276 = tpu.memref_squeeze %dma_wait3A_275 : memref<1x128x128xf32, #tpu.memory_space<vmem>> -> memref<128x128xf32, #tpu.memory_space<vmem>>
    %dma_wait3A_277 = arith.constant 0 : i32
    %dma_wait3A_278 = tpu.memref_slice %arg4[%add3A_138, %dma_wait3A_277] : memref<16384x128xf32, #tpu.memory_space<hbm>> -> memref<128x128xf32, #tpu.memory_space<hbm>>
    %dma_wait3A_279 = arith.constant 0 : i32
    %dma_wait3A_280 = arith.constant 0 : i32
    %dma_wait3A_281 = tpu.memref_slice %arg10[%dma_wait3A_272, %dma_wait3A_279, %dma_wait3A_280] : memref<2x128x128xf32, #tpu.memory_space<vmem>> -> memref<1x128x128xf32, #tpu.memory_space<vmem>>
    %dma_wait3A_282 = tpu.memref_squeeze %dma_wait3A_281 : memref<1x128x128xf32, #tpu.memory_space<vmem>> -> memref<128x128xf32, #tpu.memory_space<vmem>>
    %dma_wait3A_283 = arith.constant 0 : i32
    %dma_wait3A_284 = tpu.memref_slice %arg4[%add3A_138, %dma_wait3A_283] : memref<16384x128xf32, #tpu.memory_space<hbm>> -> memref<128x128xf32, #tpu.memory_space<hbm>>
    tpu.wait_dma2 semaphore(%arg15 : memref<!tpu.dma_semaphore, #tpu.memory_space<semaphore_mem>>) src(%dma_wait3A_284 : memref<128x128xf32, #tpu.memory_space<hbm>>) dst(%dma_wait3A_282 : memref<128x128xf32, #tpu.memory_space<vmem>>)
    %scan3A_285 = arith.constant 0 : i32
    %scan3A_286 = arith.constant 0 : i32
    %scan3A_287 = arith.constant 8 : i32
    %scan3A_288 = arith.addi %scan3A_286, %scan3A_287 : i32
    %scan3A_289 = arith.constant 1 : i32
    %scan3A_290 = scf.for %scan3A_341 = %scan3A_286 to %scan3A_288 step %scan3A_289 iter_args(%scan3A_342 = %scan3A_285) -> (i32)  : i32 {
      %mul3A_343 = arith.constant 16 : i32
      %mul3A_344 = arith.muli %scan3A_341, %mul3A_343 : i32
      %broadcast_in_dim3A = arith.constant 0.000000e+00 : f32
      %broadcast_in_dim3A_345 = vector.broadcast %broadcast_in_dim3A : f32 to vector<16xf32>
      %scan3A_346 = arith.constant 0 : i32
      %scan3A_347 = arith.constant 16 : i32
      %scan3A_348 = arith.addi %scan3A_346, %scan3A_347 : i32
      %scan3A_349 = arith.constant 1 : i32
      %scan3A_350 = scf.for %scan3A_358 = %scan3A_346 to %scan3A_348 step %scan3A_349 iter_args(%scan3A_359 = %broadcast_in_dim3A_345) -> (vector<16xf32>)  : i32 {
        %add3A_360 = arith.addi %mul3A_344, %scan3A_358 : i32
        %get3A = arith.constant 0 : i32
        %get3A_361 = arith.index_cast %get3A : i32 to index
        %get3A_362 = arith.index_cast %add3A_360 : i32 to index
        %get3A_363 = arith.constant 0 : index
        %get3A_364 = tpu.vector_load %arg9[%get3A_361, %get3A_362, %get3A_363] {strides = array<i32>} : memref<2x128x128xf32, #tpu.memory_space<vmem>>, vector<1x1x16xf32>,
        %get3A_365 = vector.shape_cast %get3A_364 : vector<1x1x16xf32> to vector<16xf32>
        %get3A_366 = arith.constant 0 : i32
        %get3A_367 = arith.index_cast %get3A_366 : i32 to index
        %get3A_368 = arith.index_cast %add3A_360 : i32 to index
        %get3A_369 = arith.constant 0 : index
        %get3A_370 = tpu.vector_load %arg8[%get3A_367, %get3A_368, %get3A_369] {strides = array<i32>} : memref<2x128x128xf32, #tpu.memory_space<vmem>>, vector<1x1x16xf32>,
        %get3A_371 = vector.shape_cast %get3A_370 : vector<1x1x16xf32> to vector<16xf32>
        %mul3A_372 = arith.mulf %get3A_365, %get3A_371 : vector<16xf32>
        %get3A_373 = arith.constant 0 : i32
        %get3A_374 = arith.index_cast %get3A_373 : i32 to index
        %get3A_375 = arith.index_cast %add3A_360 : i32 to index
        %get3A_376 = arith.constant 0 : index
        %get3A_377 = tpu.vector_load %arg10[%get3A_374, %get3A_375, %get3A_376] {strides = array<i32>} : memref<2x128x128xf32, #tpu.memory_space<vmem>>, vector<1x1x16xf32>,
        %get3A_378 = vector.shape_cast %get3A_377 : vector<1x1x16xf32> to vector<16xf32>
        %mul3A_379 = arith.mulf %mul3A_372, %get3A_378 : vector<16xf32>
        %get3A_380 = arith.constant 0 : i32
        %get3A_381 = arith.index_cast %get3A_380 : i32 to index
        %get3A_382 = arith.index_cast %add3A_360 : i32 to index
        %get3A_383 = arith.constant 16 : index
        %get3A_384 = tpu.vector_load %arg9[%get3A_381, %get3A_382, %get3A_383] {strides = array<i32>} : memref<2x128x128xf32, #tpu.memory_space<vmem>>, vector<1x1x16xf32>,
        %get3A_385 = vector.shape_cast %get3A_384 : vector<1x1x16xf32> to vector<16xf32>
        %get3A_386 = arith.constant 0 : i32
        %get3A_387 = arith.index_cast %get3A_386 : i32 to index
        %get3A_388 = arith.index_cast %add3A_360 : i32 to index
        %get3A_389 = arith.constant 16 : index
        %get3A_390 = tpu.vector_load %arg8[%get3A_387, %get3A_388, %get3A_389] {strides = array<i32>} : memref<2x128x128xf32, #tpu.memory_space<vmem>>, vector<1x1x16xf32>,
        %get3A_391 = vector.shape_cast %get3A_390 : vector<1x1x16xf32> to vector<16xf32>
        %mul3A_392 = arith.mulf %get3A_385, %get3A_391 : vector<16xf32>
        %get3A_393 = arith.constant 0 : i32
        %get3A_394 = arith.index_cast %get3A_393 : i32 to index
        %get3A_395 = arith.index_cast %add3A_360 : i32 to index
        %get3A_396 = arith.constant 16 : index
        %get3A_397 = tpu.vector_load %arg10[%get3A_394, %get3A_395, %get3A_396] {strides = array<i32>} : memref<2x128x128xf32, #tpu.memory_space<vmem>>, vector<1x1x16xf32>,
        %get3A_398 = vector.shape_cast %get3A_397 : vector<1x1x16xf32> to vector<16xf32>
        %mul3A_399 = arith.mulf %mul3A_392, %get3A_398 : vector<16xf32>
        %get3A_400 = arith.constant 0 : i32
        %get3A_401 = arith.index_cast %get3A_400 : i32 to index
        %get3A_402 = arith.index_cast %add3A_360 : i32 to index
        %get3A_403 = arith.constant 32 : index
        %get3A_404 = tpu.vector_load %arg9[%get3A_401, %get3A_402, %get3A_403] {strides = array<i32>} : memref<2x128x128xf32, #tpu.memory_space<vmem>>, vector<1x1x16xf32>,
        %get3A_405 = vector.shape_cast %get3A_404 : vector<1x1x16xf32> to vector<16xf32>
        %get3A_406 = arith.constant 0 : i32
        %get3A_407 = arith.index_cast %get3A_406 : i32 to index
        %get3A_408 = arith.index_cast %add3A_360 : i32 to index
        %get3A_409 = arith.constant 32 : index
        %get3A_410 = tpu.vector_load %arg8[%get3A_407, %get3A_408, %get3A_409] {strides = array<i32>} : memref<2x128x128xf32, #tpu.memory_space<vmem>>, vector<1x1x16xf32>,
        %get3A_411 = vector.shape_cast %get3A_410 : vector<1x1x16xf32> to vector<16xf32>
        %mul3A_412 = arith.mulf %get3A_405, %get3A_411 : vector<16xf32>
        %get3A_413 = arith.constant 0 : i32
        %get3A_414 = arith.index_cast %get3A_413 : i32 to index
        %get3A_415 = arith.index_cast %add3A_360 : i32 to index
        %get3A_416 = arith.constant 32 : index
        %get3A_417 = tpu.vector_load %arg10[%get3A_414, %get3A_415, %get3A_416] {strides = array<i32>} : memref<2x128x128xf32, #tpu.memory_space<vmem>>, vector<1x1x16xf32>,
        %get3A_418 = vector.shape_cast %get3A_417 : vector<1x1x16xf32> to vector<16xf32>
        %mul3A_419 = arith.mulf %mul3A_412, %get3A_418 : vector<16xf32>
        %add3A_420 = arith.addf %mul3A_379, %mul3A_419 : vector<16xf32>
        %get3A_421 = arith.constant 0 : i32
        %get3A_422 = arith.index_cast %get3A_421 : i32 to index
        %get3A_423 = arith.index_cast %add3A_360 : i32 to index
        %get3A_424 = arith.constant 48 : index
        %get3A_425 = tpu.vector_load %arg9[%get3A_422, %get3A_423, %get3A_424] {strides = array<i32>} : memref<2x128x128xf32, #tpu.memory_space<vmem>>, vector<1x1x16xf32>,
        %get3A_426 = vector.shape_cast %get3A_425 : vector<1x1x16xf32> to vector<16xf32>
        %get3A_427 = arith.constant 0 : i32
        %get3A_428 = arith.index_cast %get3A_427 : i32 to index
        %get3A_429 = arith.index_cast %add3A_360 : i32 to index
        %get3A_430 = arith.constant 48 : index
        %get3A_431 = tpu.vector_load %arg8[%get3A_428, %get3A_429, %get3A_430] {strides = array<i32>} : memref<2x128x128xf32, #tpu.memory_space<vmem>>, vector<1x1x16xf32>,
        %get3A_432 = vector.shape_cast %get3A_431 : vector<1x1x16xf32> to vector<16xf32>
        %mul3A_433 = arith.mulf %get3A_426, %get3A_432 : vector<16xf32>
        %get3A_434 = arith.constant 0 : i32
        %get3A_435 = arith.index_cast %get3A_434 : i32 to index
        %get3A_436 = arith.index_cast %add3A_360 : i32 to index
        %get3A_437 = arith.constant 48 : index
        %get3A_438 = tpu.vector_load %arg10[%get3A_435, %get3A_436, %get3A_437] {strides = array<i32>} : memref<2x128x128xf32, #tpu.memory_space<vmem>>, vector<1x1x16xf32>,
        %get3A_439 = vector.shape_cast %get3A_438 : vector<1x1x16xf32> to vector<16xf32>
        %mul3A_440 = arith.mulf %mul3A_433, %get3A_439 : vector<16xf32>
        %add3A_441 = arith.addf %mul3A_399, %mul3A_440 : vector<16xf32>
        %get3A_442 = arith.constant 0 : i32
        %get3A_443 = arith.index_cast %get3A_442 : i32 to index
        %get3A_444 = arith.index_cast %add3A_360 : i32 to index
        %get3A_445 = arith.constant 64 : index
        %get3A_446 = tpu.vector_load %arg9[%get3A_443, %get3A_444, %get3A_445] {strides = array<i32>} : memref<2x128x128xf32, #tpu.memory_space<vmem>>, vector<1x1x16xf32>,
        %get3A_447 = vector.shape_cast %get3A_446 : vector<1x1x16xf32> to vector<16xf32>
        %get3A_448 = arith.constant 0 : i32
        %get3A_449 = arith.index_cast %get3A_448 : i32 to index
        %get3A_450 = arith.index_cast %add3A_360 : i32 to index
        %get3A_451 = arith.constant 64 : index
        %get3A_452 = tpu.vector_load %arg8[%get3A_449, %get3A_450, %get3A_451] {strides = array<i32>} : memref<2x128x128xf32, #tpu.memory_space<vmem>>, vector<1x1x16xf32>,
        %get3A_453 = vector.shape_cast %get3A_452 : vector<1x1x16xf32> to vector<16xf32>
        %mul3A_454 = arith.mulf %get3A_447, %get3A_453 : vector<16xf32>
        %get3A_455 = arith.constant 0 : i32
        %get3A_456 = arith.index_cast %get3A_455 : i32 to index
        %get3A_457 = arith.index_cast %add3A_360 : i32 to index
        %get3A_458 = arith.constant 64 : index
        %get3A_459 = tpu.vector_load %arg10[%get3A_456, %get3A_457, %get3A_458] {strides = array<i32>} : memref<2x128x128xf32, #tpu.memory_space<vmem>>, vector<1x1x16xf32>,
        %get3A_460 = vector.shape_cast %get3A_459 : vector<1x1x16xf32> to vector<16xf32>
        %mul3A_461 = arith.mulf %mul3A_454, %get3A_460 : vector<16xf32>
        %add3A_462 = arith.addf %add3A_420, %mul3A_461 : vector<16xf32>
        %get3A_463 = arith.constant 0 : i32
        %get3A_464 = arith.index_cast %get3A_463 : i32 to index
        %get3A_465 = arith.index_cast %add3A_360 : i32 to index
        %get3A_466 = arith.constant 80 : index
        %get3A_467 = tpu.vector_load %arg9[%get3A_464, %get3A_465, %get3A_466] {strides = array<i32>} : memref<2x128x128xf32, #tpu.memory_space<vmem>>, vector<1x1x16xf32>,
        %get3A_468 = vector.shape_cast %get3A_467 : vector<1x1x16xf32> to vector<16xf32>
        %get3A_469 = arith.constant 0 : i32
        %get3A_470 = arith.index_cast %get3A_469 : i32 to index
        %get3A_471 = arith.index_cast %add3A_360 : i32 to index
        %get3A_472 = arith.constant 80 : index
        %get3A_473 = tpu.vector_load %arg8[%get3A_470, %get3A_471, %get3A_472] {strides = array<i32>} : memref<2x128x128xf32, #tpu.memory_space<vmem>>, vector<1x1x16xf32>,
        %get3A_474 = vector.shape_cast %get3A_473 : vector<1x1x16xf32> to vector<16xf32>
        %mul3A_475 = arith.mulf %get3A_468, %get3A_474 : vector<16xf32>
        %get3A_476 = arith.constant 0 : i32
        %get3A_477 = arith.index_cast %get3A_476 : i32 to index
        %get3A_478 = arith.index_cast %add3A_360 : i32 to index
        %get3A_479 = arith.constant 80 : index
        %get3A_480 = tpu.vector_load %arg10[%get3A_477, %get3A_478, %get3A_479] {strides = array<i32>} : memref<2x128x128xf32, #tpu.memory_space<vmem>>, vector<1x1x16xf32>,
        %get3A_481 = vector.shape_cast %get3A_480 : vector<1x1x16xf32> to vector<16xf32>
        %mul3A_482 = arith.mulf %mul3A_475, %get3A_481 : vector<16xf32>
        %add3A_483 = arith.addf %add3A_441, %mul3A_482 : vector<16xf32>
        %get3A_484 = arith.constant 0 : i32
        %get3A_485 = arith.index_cast %get3A_484 : i32 to index
        %get3A_486 = arith.index_cast %add3A_360 : i32 to index
        %get3A_487 = arith.constant 96 : index
        %get3A_488 = tpu.vector_load %arg9[%get3A_485, %get3A_486, %get3A_487] {strides = array<i32>} : memref<2x128x128xf32, #tpu.memory_space<vmem>>, vector<1x1x16xf32>,
        %get3A_489 = vector.shape_cast %get3A_488 : vector<1x1x16xf32> to vector<16xf32>
        %get3A_490 = arith.constant 0 : i32
        %get3A_491 = arith.index_cast %get3A_490 : i32 to index
        %get3A_492 = arith.index_cast %add3A_360 : i32 to index
        %get3A_493 = arith.constant 96 : index
        %get3A_494 = tpu.vector_load %arg8[%get3A_491, %get3A_492, %get3A_493] {strides = array<i32>} : memref<2x128x128xf32, #tpu.memory_space<vmem>>, vector<1x1x16xf32>,
        %get3A_495 = vector.shape_cast %get3A_494 : vector<1x1x16xf32> to vector<16xf32>
        %mul3A_496 = arith.mulf %get3A_489, %get3A_495 : vector<16xf32>
        %get3A_497 = arith.constant 0 : i32
        %get3A_498 = arith.index_cast %get3A_497 : i32 to index
        %get3A_499 = arith.index_cast %add3A_360 : i32 to index
        %get3A_500 = arith.constant 96 : index
        %get3A_501 = tpu.vector_load %arg10[%get3A_498, %get3A_499, %get3A_500] {strides = array<i32>} : memref<2x128x128xf32, #tpu.memory_space<vmem>>, vector<1x1x16xf32>,
        %get3A_502 = vector.shape_cast %get3A_501 : vector<1x1x16xf32> to vector<16xf32>
        %mul3A_503 = arith.mulf %mul3A_496, %get3A_502 : vector<16xf32>
        %add3A_504 = arith.addf %add3A_462, %mul3A_503 : vector<16xf32>
        %get3A_505 = arith.constant 0 : i32
        %get3A_506 = arith.index_cast %get3A_505 : i32 to index
        %get3A_507 = arith.index_cast %add3A_360 : i32 to index
        %get3A_508 = arith.constant 112 : index
        %get3A_509 = tpu.vector_load %arg9[%get3A_506, %get3A_507, %get3A_508] {strides = array<i32>} : memref<2x128x128xf32, #tpu.memory_space<vmem>>, vector<1x1x16xf32>,
        %get3A_510 = vector.shape_cast %get3A_509 : vector<1x1x16xf32> to vector<16xf32>
        %get3A_511 = arith.constant 0 : i32
        %get3A_512 = arith.index_cast %get3A_511 : i32 to index
        %get3A_513 = arith.index_cast %add3A_360 : i32 to index
        %get3A_514 = arith.constant 112 : index
        %get3A_515 = tpu.vector_load %arg8[%get3A_512, %get3A_513, %get3A_514] {strides = array<i32>} : memref<2x128x128xf32, #tpu.memory_space<vmem>>, vector<1x1x16xf32>,
        %get3A_516 = vector.shape_cast %get3A_515 : vector<1x1x16xf32> to vector<16xf32>
        %mul3A_517 = arith.mulf %get3A_510, %get3A_516 : vector<16xf32>
        %get3A_518 = arith.constant 0 : i32
        %get3A_519 = arith.index_cast %get3A_518 : i32 to index
        %get3A_520 = arith.index_cast %add3A_360 : i32 to index
        %get3A_521 = arith.constant 112 : index
        %get3A_522 = tpu.vector_load %arg10[%get3A_519, %get3A_520, %get3A_521] {strides = array<i32>} : memref<2x128x128xf32, #tpu.memory_space<vmem>>, vector<1x1x16xf32>,
        %get3A_523 = vector.shape_cast %get3A_522 : vector<1x1x16xf32> to vector<16xf32>
        %mul3A_524 = arith.mulf %mul3A_517, %get3A_523 : vector<16xf32>
        %add3A_525 = arith.addf %add3A_483, %mul3A_524 : vector<16xf32>
        %add3A_526 = arith.addf %add3A_504, %add3A_525 : vector<16xf32>
        %xor3A = arith.constant 8 : i32
        %xor3A_527 = vector.broadcast %xor3A : i32 to vector<16xi32>
        %xor3A_528 = arith.xori %iota3A, %xor3A_527 : vector<16xi32>
        %broadcast_in_dim3A_529 = vector.shape_cast %xor3A_528 : vector<16xi32> to vector<16x1xi32>
        %gather3A = vector.shape_cast %broadcast_in_dim3A_529 : vector<16x1xi32> to vector<16xi32>
        %gather3A_530 = tpu.dynamic_gather %add3A_526[%gather3A] in [0] : vector<16xf32>, vector<16xi32> -> vector<16xf32>
        %add3A_531 = arith.addf %add3A_526, %gather3A_530 : vector<16xf32>
        %xor3A_532 = arith.constant 4 : i32
        %xor3A_533 = vector.broadcast %xor3A_532 : i32 to vector<16xi32>
        %xor3A_534 = arith.xori %iota3A, %xor3A_533 : vector<16xi32>
        %broadcast_in_dim3A_535 = vector.shape_cast %xor3A_534 : vector<16xi32> to vector<16x1xi32>
        %gather3A_536 = vector.shape_cast %broadcast_in_dim3A_535 : vector<16x1xi32> to vector<16xi32>
        %gather3A_537 = tpu.dynamic_gather %add3A_531[%gather3A_536] in [0] : vector<16xf32>, vector<16xi32> -> vector<16xf32>
        %add3A_538 = arith.addf %add3A_531, %gather3A_537 : vector<16xf32>
        %xor3A_539 = arith.constant 2 : i32
        %xor3A_540 = vector.broadcast %xor3A_539 : i32 to vector<16xi32>
        %xor3A_541 = arith.xori %iota3A, %xor3A_540 : vector<16xi32>
        %broadcast_in_dim3A_542 = vector.shape_cast %xor3A_541 : vector<16xi32> to vector<16x1xi32>
        %gather3A_543 = vector.shape_cast %broadcast_in_dim3A_542 : vector<16x1xi32> to vector<16xi32>
        %gather3A_544 = tpu.dynamic_gather %add3A_538[%gather3A_543] in [0] : vector<16xf32>, vector<16xi32> -> vector<16xf32>
        %add3A_545 = arith.addf %add3A_538, %gather3A_544 : vector<16xf32>
        %xor3A_546 = arith.constant 1 : i32
        %xor3A_547 = vector.broadcast %xor3A_546 : i32 to vector<16xi32>
        %xor3A_548 = arith.xori %iota3A, %xor3A_547 : vector<16xi32>
        %broadcast_in_dim3A_549 = vector.shape_cast %xor3A_548 : vector<16xi32> to vector<16x1xi32>
        %gather3A_550 = vector.shape_cast %broadcast_in_dim3A_549 : vector<16x1xi32> to vector<16xi32>
        %gather3A_551 = tpu.dynamic_gather %add3A_545[%gather3A_550] in [0] : vector<16xf32>, vector<16xi32> -> vector<16xf32>
        %add3A_552 = arith.addf %add3A_545, %gather3A_551 : vector<16xf32>
        %eq3A_553 = vector.broadcast %scan3A_358 : i32 to vector<16xi32>
        %eq3A_554 = arith.cmpi eq, %iota3A, %eq3A_553 : vector<16xi32>
        %select_n3A = arith.select %eq3A_554, %add3A_552, %scan3A_359 : vector<16xi1>, vector<16xf32>
        scf.yield %select_n3A : vector<16xf32>
      }
      %scan3A_351 = arith.constant 16 : i32
      %swap3A = arith.constant 0 : i32
      %swap3A_352 = arith.index_cast %swap3A : i32 to index
      %swap3A_353 = arith.index_cast %mul3A_344 : i32 to index
      %swap3A_354 = tpu.vector_load %arg11[%swap3A_352, %swap3A_353] {strides = array<i32>} : memref<2x128xf32, #tpu.memory_space<vmem>>, vector<1x16xf32>,
      %swap3A_355 = vector.shape_cast %swap3A_354 : vector<1x16xf32> to vector<16xf32>
      %swap3A_356 = vector.shape_cast %scan3A_350 : vector<16xf32> to vector<1x16xf32>
      tpu.vector_store %arg11[%swap3A_352, %swap3A_353], %swap3A_356 {strides = array<i32>} : memref<2x128xf32, #tpu.memory_space<vmem>>, vector<1x16xf32>,
      %scan3A_357 = arith.constant 0 : i32
      scf.yield %scan3A_357 : i32
    }
    %scan3A_291 = arith.constant 8 : i32
    %add3A_292 = arith.constant 256 : i32
    %add3A_293 = arith.addi %mul3A_2, %add3A_292 : i32
    %run_scoped3A_294 = arith.constant 0 : i32
    "tpu.region"() ({
      %run_scoped3A_341 = tpu.sem_alloc : memref<!tpu.dma_semaphore, #tpu.memory_space<semaphore_mem>>
      %dma_start3A_342 = arith.constant 0 : i32
      %dma_start3A_343 = tpu.memref_slice %arg11[%run_scoped3A_294, %dma_start3A_342] : memref<2x128xf32, #tpu.memory_space<vmem>> -> memref<1x128xf32, #tpu.memory_space<vmem>>
      %dma_start3A_344 = tpu.memref_squeeze %dma_start3A_343 : memref<1x128xf32, #tpu.memory_space<vmem>> -> memref<128xf32, #tpu.memory_space<vmem>>
      %dma_start3A_345 = tpu.memref_slice %arg6[%add3A_293] : memref<16384xf32, #tpu.memory_space<hbm>> -> memref<128xf32, #tpu.memory_space<hbm>>
      %dma_start3A_346 = tpu.memref_slice %arg6[%add3A_293] : memref<16384xf32, #tpu.memory_space<hbm>> -> memref<128xf32, #tpu.memory_space<hbm>>
      %dma_start3A_347 = arith.constant 0 : i32
      %dma_start3A_348 = tpu.memref_slice %arg11[%run_scoped3A_294, %dma_start3A_347] : memref<2x128xf32, #tpu.memory_space<vmem>> -> memref<1x128xf32, #tpu.memory_space<vmem>>
      %dma_start3A_349 = tpu.memref_squeeze %dma_start3A_348 : memref<1x128xf32, #tpu.memory_space<vmem>> -> memref<128xf32, #tpu.memory_space<vmem>>
      tpu.enqueue_dma source(%dma_start3A_349 : memref<128xf32, #tpu.memory_space<vmem>>) target(%dma_start3A_346 : memref<128xf32, #tpu.memory_space<hbm>>) target_semaphore(%run_scoped3A_341 : memref<!tpu.dma_semaphore, #tpu.memory_space<semaphore_mem>>)
      %dma_wait3A_350 = arith.constant 0 : i32
      %dma_wait3A_351 = tpu.memref_slice %arg11[%run_scoped3A_294, %dma_wait3A_350] : memref<2x128xf32, #tpu.memory_space<vmem>> -> memref<1x128xf32, #tpu.memory_space<vmem>>
      %dma_wait3A_352 = tpu.memref_squeeze %dma_wait3A_351 : memref<1x128xf32, #tpu.memory_space<vmem>> -> memref<128xf32, #tpu.memory_space<vmem>>
      %dma_wait3A_353 = tpu.memref_slice %arg6[%add3A_293] : memref<16384xf32, #tpu.memory_space<hbm>> -> memref<128xf32, #tpu.memory_space<hbm>>
      %dma_wait3A_354 = tpu.memref_slice %arg6[%add3A_293] : memref<16384xf32, #tpu.memory_space<hbm>> -> memref<128xf32, #tpu.memory_space<hbm>>
      %dma_wait3A_355 = arith.constant 0 : i32
      %dma_wait3A_356 = tpu.memref_slice %arg11[%run_scoped3A_294, %dma_wait3A_355] : memref<2x128xf32, #tpu.memory_space<vmem>> -> memref<1x128xf32, #tpu.memory_space<vmem>>
      %dma_wait3A_357 = tpu.memref_squeeze %dma_wait3A_356 : memref<1x128xf32, #tpu.memory_space<vmem>> -> memref<128xf32, #tpu.memory_space<vmem>>
      tpu.wait_dma2 semaphore(%run_scoped3A_341 : memref<!tpu.dma_semaphore, #tpu.memory_space<semaphore_mem>>) src(%dma_wait3A_357 : memref<128xf32, #tpu.memory_space<vmem>>) dst(%dma_wait3A_354 : memref<128xf32, #tpu.memory_space<hbm>>)
      tpu.yield
    }) : () -> ()
    %dma_wait3A_295 = arith.constant 1 : i32
    %dma_wait3A_296 = arith.constant 0 : i32
    %dma_wait3A_297 = arith.constant 0 : i32
    %dma_wait3A_298 = tpu.memref_slice %arg8[%dma_wait3A_295, %dma_wait3A_296, %dma_wait3A_297] : memref<2x128x128xf32, #tpu.memory_space<vmem>> -> memref<1x128x128xf32, #tpu.memory_space<vmem>>
    %dma_wait3A_299 = tpu.memref_squeeze %dma_wait3A_298 : memref<1x128x128xf32, #tpu.memory_space<vmem>> -> memref<128x128xf32, #tpu.memory_space<vmem>>
    %dma_wait3A_300 = arith.constant 384 : i32
    %dma_wait3A_301 = tpu.memref_slice %arg7[%dma_wait3A_300] : memref<512xi32, #tpu.memory_space<vmem>> -> memref<128xi32, #tpu.memory_space<vmem>>
    %dma_wait3A_302 = arith.constant 0 : i32
    %dma_wait3A_303 = arith.constant 0 : i32
    %dma_wait3A_304 = tpu.memref_slice %arg12[%dma_wait3A_302, %dma_wait3A_303] : memref<1000x128xf32, #tpu.memory_space<vmem_shared>> -> memref<1000x128xf32, #tpu.memory_space<vmem_shared>>
    tpu.wait_indirect_dma semaphore(%arg16 : memref<!tpu.dma_semaphore, #tpu.memory_space<semaphore_mem>>) src(%dma_wait3A_304 : memref<1000x128xf32, #tpu.memory_space<vmem_shared>>) dst(%dma_wait3A_299 : memref<128x128xf32, #tpu.memory_space<vmem>>)
    %dma_wait3A_305 = arith.constant 1 : i32
    %dma_wait3A_306 = arith.constant 0 : i32
    %dma_wait3A_307 = arith.constant 0 : i32
    %dma_wait3A_308 = tpu.memref_slice %arg9[%dma_wait3A_305, %dma_wait3A_306, %dma_wait3A_307] : memref<2x128x128xf32, #tpu.memory_space<vmem>> -> memref<1x128x128xf32, #tpu.memory_space<vmem>>
    %dma_wait3A_309 = tpu.memref_squeeze %dma_wait3A_308 : memref<1x128x128xf32, #tpu.memory_space<vmem>> -> memref<128x128xf32, #tpu.memory_space<vmem>>
    %dma_wait3A_310 = arith.constant 0 : i32
    %dma_wait3A_311 = tpu.memref_slice %arg2[%add3A_222, %dma_wait3A_310] : memref<16384x128xf32, #tpu.memory_space<hbm>> -> memref<128x128xf32, #tpu.memory_space<hbm>>
    %dma_wait3A_312 = arith.constant 0 : i32
    %dma_wait3A_313 = arith.constant 0 : i32
    %dma_wait3A_314 = tpu.memref_slice %arg9[%dma_wait3A_305, %dma_wait3A_312, %dma_wait3A_313] : memref<2x128x128xf32, #tpu.memory_space<vmem>> -> memref<1x128x128xf32, #tpu.memory_space<vmem>>
    %dma_wait3A_315 = tpu.memref_squeeze %dma_wait3A_314 : memref<1x128x128xf32, #tpu.memory_space<vmem>> -> memref<128x128xf32, #tpu.memory_space<vmem>>
    %dma_wait3A_316 = arith.constant 0 : i32
    %dma_wait3A_317 = tpu.memref_slice %arg2[%add3A_222, %dma_wait3A_316] : memref<16384x128xf32, #tpu.memory_space<hbm>> -> memref<128x128xf32, #tpu.memory_space<hbm>>
    tpu.wait_dma2 semaphore(%arg17 : memref<!tpu.dma_semaphore, #tpu.memory_space<semaphore_mem>>) src(%dma_wait3A_317 : memref<128x128xf32, #tpu.memory_space<hbm>>) dst(%dma_wait3A_315 : memref<128x128xf32, #tpu.memory_space<vmem>>)
    %dma_wait3A_318 = arith.constant 1 : i32
    %dma_wait3A_319 = arith.constant 0 : i32
    %dma_wait3A_320 = arith.constant 0 : i32
    %dma_wait3A_321 = tpu.memref_slice %arg10[%dma_wait3A_318, %dma_wait3A_319, %dma_wait3A_320] : memref<2x128x128xf32, #tpu.memory_space<vmem>> -> memref<1x128x128xf32, #tpu.memory_space<vmem>>
    %dma_wait3A_322 = tpu.memref_squeeze %dma_wait3A_321 : memref<1x128x128xf32, #tpu.memory_space<vmem>> -> memref<128x128xf32, #tpu.memory_space<vmem>>
    %dma_wait3A_323 = arith.constant 0 : i32
    %dma_wait3A_324 = tpu.memref_slice %arg4[%add3A_222, %dma_wait3A_323] : memref<16384x128xf32, #tpu.memory_space<hbm>> -> memref<128x128xf32, #tpu.memory_space<hbm>>
    %dma_wait3A_325 = arith.constant 0 : i32
    %dma_wait3A_326 = arith.constant 0 : i32
    %dma_wait3A_327 = tpu.memref_slice %arg10[%dma_wait3A_318, %dma_wait3A_325, %dma_wait3A_326] : memref<2x128x128xf32, #tpu.memory_space<vmem>> -> memref<1x128x128xf32, #tpu.memory_space<vmem>>
    %dma_wait3A_328 = tpu.memref_squeeze %dma_wait3A_327 : memref<1x128x128xf32, #tpu.memory_space<vmem>> -> memref<128x128xf32, #tpu.memory_space<vmem>>
    %dma_wait3A_329 = arith.constant 0 : i32
    %dma_wait3A_330 = tpu.memref_slice %arg4[%add3A_222, %dma_wait3A_329] : memref<16384x128xf32, #tpu.memory_space<hbm>> -> memref<128x128xf32, #tpu.memory_space<hbm>>
    tpu.wait_dma2 semaphore(%arg18 : memref<!tpu.dma_semaphore, #tpu.memory_space<semaphore_mem>>) src(%dma_wait3A_330 : memref<128x128xf32, #tpu.memory_space<hbm>>) dst(%dma_wait3A_328 : memref<128x128xf32, #tpu.memory_space<vmem>>)
    %scan3A_331 = arith.constant 0 : i32
    %scan3A_332 = arith.constant 0 : i32
    %scan3A_333 = arith.constant 8 : i32
    %scan3A_334 = arith.addi %scan3A_332, %scan3A_333 : i32
    %scan3A_335 = arith.constant 1 : i32
    %scan3A_336 = scf.for %scan3A_341 = %scan3A_332 to %scan3A_334 step %scan3A_335 iter_args(%scan3A_342 = %scan3A_331) -> (i32)  : i32 {
      %mul3A_343 = arith.constant 16 : i32
      %mul3A_344 = arith.muli %scan3A_341, %mul3A_343 : i32
      %broadcast_in_dim3A = arith.constant 0.000000e+00 : f32
      %broadcast_in_dim3A_345 = vector.broadcast %broadcast_in_dim3A : f32 to vector<16xf32>
      %scan3A_346 = arith.constant 0 : i32
      %scan3A_347 = arith.constant 16 : i32
      %scan3A_348 = arith.addi %scan3A_346, %scan3A_347 : i32
      %scan3A_349 = arith.constant 1 : i32
      %scan3A_350 = scf.for %scan3A_358 = %scan3A_346 to %scan3A_348 step %scan3A_349 iter_args(%scan3A_359 = %broadcast_in_dim3A_345) -> (vector<16xf32>)  : i32 {
        %add3A_360 = arith.addi %mul3A_344, %scan3A_358 : i32
        %get3A = arith.constant 1 : i32
        %get3A_361 = arith.index_cast %get3A : i32 to index
        %get3A_362 = arith.index_cast %add3A_360 : i32 to index
        %get3A_363 = arith.constant 0 : index
        %get3A_364 = tpu.vector_load %arg9[%get3A_361, %get3A_362, %get3A_363] {strides = array<i32>} : memref<2x128x128xf32, #tpu.memory_space<vmem>>, vector<1x1x16xf32>,
        %get3A_365 = vector.shape_cast %get3A_364 : vector<1x1x16xf32> to vector<16xf32>
        %get3A_366 = arith.constant 1 : i32
        %get3A_367 = arith.index_cast %get3A_366 : i32 to index
        %get3A_368 = arith.index_cast %add3A_360 : i32 to index
        %get3A_369 = arith.constant 0 : index
        %get3A_370 = tpu.vector_load %arg8[%get3A_367, %get3A_368, %get3A_369] {strides = array<i32>} : memref<2x128x128xf32, #tpu.memory_space<vmem>>, vector<1x1x16xf32>,
        %get3A_371 = vector.shape_cast %get3A_370 : vector<1x1x16xf32> to vector<16xf32>
        %mul3A_372 = arith.mulf %get3A_365, %get3A_371 : vector<16xf32>
        %get3A_373 = arith.constant 1 : i32
        %get3A_374 = arith.index_cast %get3A_373 : i32 to index
        %get3A_375 = arith.index_cast %add3A_360 : i32 to index
        %get3A_376 = arith.constant 0 : index
        %get3A_377 = tpu.vector_load %arg10[%get3A_374, %get3A_375, %get3A_376] {strides = array<i32>} : memref<2x128x128xf32, #tpu.memory_space<vmem>>, vector<1x1x16xf32>,
        %get3A_378 = vector.shape_cast %get3A_377 : vector<1x1x16xf32> to vector<16xf32>
        %mul3A_379 = arith.mulf %mul3A_372, %get3A_378 : vector<16xf32>
        %get3A_380 = arith.constant 1 : i32
        %get3A_381 = arith.index_cast %get3A_380 : i32 to index
        %get3A_382 = arith.index_cast %add3A_360 : i32 to index
        %get3A_383 = arith.constant 16 : index
        %get3A_384 = tpu.vector_load %arg9[%get3A_381, %get3A_382, %get3A_383] {strides = array<i32>} : memref<2x128x128xf32, #tpu.memory_space<vmem>>, vector<1x1x16xf32>,
        %get3A_385 = vector.shape_cast %get3A_384 : vector<1x1x16xf32> to vector<16xf32>
        %get3A_386 = arith.constant 1 : i32
        %get3A_387 = arith.index_cast %get3A_386 : i32 to index
        %get3A_388 = arith.index_cast %add3A_360 : i32 to index
        %get3A_389 = arith.constant 16 : index
        %get3A_390 = tpu.vector_load %arg8[%get3A_387, %get3A_388, %get3A_389] {strides = array<i32>} : memref<2x128x128xf32, #tpu.memory_space<vmem>>, vector<1x1x16xf32>,
        %get3A_391 = vector.shape_cast %get3A_390 : vector<1x1x16xf32> to vector<16xf32>
        %mul3A_392 = arith.mulf %get3A_385, %get3A_391 : vector<16xf32>
        %get3A_393 = arith.constant 1 : i32
        %get3A_394 = arith.index_cast %get3A_393 : i32 to index
        %get3A_395 = arith.index_cast %add3A_360 : i32 to index
        %get3A_396 = arith.constant 16 : index
        %get3A_397 = tpu.vector_load %arg10[%get3A_394, %get3A_395, %get3A_396] {strides = array<i32>} : memref<2x128x128xf32, #tpu.memory_space<vmem>>, vector<1x1x16xf32>,
        %get3A_398 = vector.shape_cast %get3A_397 : vector<1x1x16xf32> to vector<16xf32>
        %mul3A_399 = arith.mulf %mul3A_392, %get3A_398 : vector<16xf32>
        %get3A_400 = arith.constant 1 : i32
        %get3A_401 = arith.index_cast %get3A_400 : i32 to index
        %get3A_402 = arith.index_cast %add3A_360 : i32 to index
        %get3A_403 = arith.constant 32 : index
        %get3A_404 = tpu.vector_load %arg9[%get3A_401, %get3A_402, %get3A_403] {strides = array<i32>} : memref<2x128x128xf32, #tpu.memory_space<vmem>>, vector<1x1x16xf32>,
        %get3A_405 = vector.shape_cast %get3A_404 : vector<1x1x16xf32> to vector<16xf32>
        %get3A_406 = arith.constant 1 : i32
        %get3A_407 = arith.index_cast %get3A_406 : i32 to index
        %get3A_408 = arith.index_cast %add3A_360 : i32 to index
        %get3A_409 = arith.constant 32 : index
        %get3A_410 = tpu.vector_load %arg8[%get3A_407, %get3A_408, %get3A_409] {strides = array<i32>} : memref<2x128x128xf32, #tpu.memory_space<vmem>>, vector<1x1x16xf32>,
        %get3A_411 = vector.shape_cast %get3A_410 : vector<1x1x16xf32> to vector<16xf32>
        %mul3A_412 = arith.mulf %get3A_405, %get3A_411 : vector<16xf32>
        %get3A_413 = arith.constant 1 : i32
        %get3A_414 = arith.index_cast %get3A_413 : i32 to index
        %get3A_415 = arith.index_cast %add3A_360 : i32 to index
        %get3A_416 = arith.constant 32 : index
        %get3A_417 = tpu.vector_load %arg10[%get3A_414, %get3A_415, %get3A_416] {strides = array<i32>} : memref<2x128x128xf32, #tpu.memory_space<vmem>>, vector<1x1x16xf32>,
        %get3A_418 = vector.shape_cast %get3A_417 : vector<1x1x16xf32> to vector<16xf32>
        %mul3A_419 = arith.mulf %mul3A_412, %get3A_418 : vector<16xf32>
        %add3A_420 = arith.addf %mul3A_379, %mul3A_419 : vector<16xf32>
        %get3A_421 = arith.constant 1 : i32
        %get3A_422 = arith.index_cast %get3A_421 : i32 to index
        %get3A_423 = arith.index_cast %add3A_360 : i32 to index
        %get3A_424 = arith.constant 48 : index
        %get3A_425 = tpu.vector_load %arg9[%get3A_422, %get3A_423, %get3A_424] {strides = array<i32>} : memref<2x128x128xf32, #tpu.memory_space<vmem>>, vector<1x1x16xf32>,
        %get3A_426 = vector.shape_cast %get3A_425 : vector<1x1x16xf32> to vector<16xf32>
        %get3A_427 = arith.constant 1 : i32
        %get3A_428 = arith.index_cast %get3A_427 : i32 to index
        %get3A_429 = arith.index_cast %add3A_360 : i32 to index
        %get3A_430 = arith.constant 48 : index
        %get3A_431 = tpu.vector_load %arg8[%get3A_428, %get3A_429, %get3A_430] {strides = array<i32>} : memref<2x128x128xf32, #tpu.memory_space<vmem>>, vector<1x1x16xf32>,
        %get3A_432 = vector.shape_cast %get3A_431 : vector<1x1x16xf32> to vector<16xf32>
        %mul3A_433 = arith.mulf %get3A_426, %get3A_432 : vector<16xf32>
        %get3A_434 = arith.constant 1 : i32
        %get3A_435 = arith.index_cast %get3A_434 : i32 to index
        %get3A_436 = arith.index_cast %add3A_360 : i32 to index
        %get3A_437 = arith.constant 48 : index
        %get3A_438 = tpu.vector_load %arg10[%get3A_435, %get3A_436, %get3A_437] {strides = array<i32>} : memref<2x128x128xf32, #tpu.memory_space<vmem>>, vector<1x1x16xf32>,
        %get3A_439 = vector.shape_cast %get3A_438 : vector<1x1x16xf32> to vector<16xf32>
        %mul3A_440 = arith.mulf %mul3A_433, %get3A_439 : vector<16xf32>
        %add3A_441 = arith.addf %mul3A_399, %mul3A_440 : vector<16xf32>
        %get3A_442 = arith.constant 1 : i32
        %get3A_443 = arith.index_cast %get3A_442 : i32 to index
        %get3A_444 = arith.index_cast %add3A_360 : i32 to index
        %get3A_445 = arith.constant 64 : index
        %get3A_446 = tpu.vector_load %arg9[%get3A_443, %get3A_444, %get3A_445] {strides = array<i32>} : memref<2x128x128xf32, #tpu.memory_space<vmem>>, vector<1x1x16xf32>,
        %get3A_447 = vector.shape_cast %get3A_446 : vector<1x1x16xf32> to vector<16xf32>
        %get3A_448 = arith.constant 1 : i32
        %get3A_449 = arith.index_cast %get3A_448 : i32 to index
        %get3A_450 = arith.index_cast %add3A_360 : i32 to index
        %get3A_451 = arith.constant 64 : index
        %get3A_452 = tpu.vector_load %arg8[%get3A_449, %get3A_450, %get3A_451] {strides = array<i32>} : memref<2x128x128xf32, #tpu.memory_space<vmem>>, vector<1x1x16xf32>,
        %get3A_453 = vector.shape_cast %get3A_452 : vector<1x1x16xf32> to vector<16xf32>
        %mul3A_454 = arith.mulf %get3A_447, %get3A_453 : vector<16xf32>
        %get3A_455 = arith.constant 1 : i32
        %get3A_456 = arith.index_cast %get3A_455 : i32 to index
        %get3A_457 = arith.index_cast %add3A_360 : i32 to index
        %get3A_458 = arith.constant 64 : index
        %get3A_459 = tpu.vector_load %arg10[%get3A_456, %get3A_457, %get3A_458] {strides = array<i32>} : memref<2x128x128xf32, #tpu.memory_space<vmem>>, vector<1x1x16xf32>,
        %get3A_460 = vector.shape_cast %get3A_459 : vector<1x1x16xf32> to vector<16xf32>
        %mul3A_461 = arith.mulf %mul3A_454, %get3A_460 : vector<16xf32>
        %add3A_462 = arith.addf %add3A_420, %mul3A_461 : vector<16xf32>
        %get3A_463 = arith.constant 1 : i32
        %get3A_464 = arith.index_cast %get3A_463 : i32 to index
        %get3A_465 = arith.index_cast %add3A_360 : i32 to index
        %get3A_466 = arith.constant 80 : index
        %get3A_467 = tpu.vector_load %arg9[%get3A_464, %get3A_465, %get3A_466] {strides = array<i32>} : memref<2x128x128xf32, #tpu.memory_space<vmem>>, vector<1x1x16xf32>,
        %get3A_468 = vector.shape_cast %get3A_467 : vector<1x1x16xf32> to vector<16xf32>
        %get3A_469 = arith.constant 1 : i32
        %get3A_470 = arith.index_cast %get3A_469 : i32 to index
        %get3A_471 = arith.index_cast %add3A_360 : i32 to index
        %get3A_472 = arith.constant 80 : index
        %get3A_473 = tpu.vector_load %arg8[%get3A_470, %get3A_471, %get3A_472] {strides = array<i32>} : memref<2x128x128xf32, #tpu.memory_space<vmem>>, vector<1x1x16xf32>,
        %get3A_474 = vector.shape_cast %get3A_473 : vector<1x1x16xf32> to vector<16xf32>
        %mul3A_475 = arith.mulf %get3A_468, %get3A_474 : vector<16xf32>
        %get3A_476 = arith.constant 1 : i32
        %get3A_477 = arith.index_cast %get3A_476 : i32 to index
        %get3A_478 = arith.index_cast %add3A_360 : i32 to index
        %get3A_479 = arith.constant 80 : index
        %get3A_480 = tpu.vector_load %arg10[%get3A_477, %get3A_478, %get3A_479] {strides = array<i32>} : memref<2x128x128xf32, #tpu.memory_space<vmem>>, vector<1x1x16xf32>,
        %get3A_481 = vector.shape_cast %get3A_480 : vector<1x1x16xf32> to vector<16xf32>
        %mul3A_482 = arith.mulf %mul3A_475, %get3A_481 : vector<16xf32>
        %add3A_483 = arith.addf %add3A_441, %mul3A_482 : vector<16xf32>
        %get3A_484 = arith.constant 1 : i32
        %get3A_485 = arith.index_cast %get3A_484 : i32 to index
        %get3A_486 = arith.index_cast %add3A_360 : i32 to index
        %get3A_487 = arith.constant 96 : index
        %get3A_488 = tpu.vector_load %arg9[%get3A_485, %get3A_486, %get3A_487] {strides = array<i32>} : memref<2x128x128xf32, #tpu.memory_space<vmem>>, vector<1x1x16xf32>,
        %get3A_489 = vector.shape_cast %get3A_488 : vector<1x1x16xf32> to vector<16xf32>
        %get3A_490 = arith.constant 1 : i32
        %get3A_491 = arith.index_cast %get3A_490 : i32 to index
        %get3A_492 = arith.index_cast %add3A_360 : i32 to index
        %get3A_493 = arith.constant 96 : index
        %get3A_494 = tpu.vector_load %arg8[%get3A_491, %get3A_492, %get3A_493] {strides = array<i32>} : memref<2x128x128xf32, #tpu.memory_space<vmem>>, vector<1x1x16xf32>,
        %get3A_495 = vector.shape_cast %get3A_494 : vector<1x1x16xf32> to vector<16xf32>
        %mul3A_496 = arith.mulf %get3A_489, %get3A_495 : vector<16xf32>
        %get3A_497 = arith.constant 1 : i32
        %get3A_498 = arith.index_cast %get3A_497 : i32 to index
        %get3A_499 = arith.index_cast %add3A_360 : i32 to index
        %get3A_500 = arith.constant 96 : index
        %get3A_501 = tpu.vector_load %arg10[%get3A_498, %get3A_499, %get3A_500] {strides = array<i32>} : memref<2x128x128xf32, #tpu.memory_space<vmem>>, vector<1x1x16xf32>,
        %get3A_502 = vector.shape_cast %get3A_501 : vector<1x1x16xf32> to vector<16xf32>
        %mul3A_503 = arith.mulf %mul3A_496, %get3A_502 : vector<16xf32>
        %add3A_504 = arith.addf %add3A_462, %mul3A_503 : vector<16xf32>
        %get3A_505 = arith.constant 1 : i32
        %get3A_506 = arith.index_cast %get3A_505 : i32 to index
        %get3A_507 = arith.index_cast %add3A_360 : i32 to index
        %get3A_508 = arith.constant 112 : index
        %get3A_509 = tpu.vector_load %arg9[%get3A_506, %get3A_507, %get3A_508] {strides = array<i32>} : memref<2x128x128xf32, #tpu.memory_space<vmem>>, vector<1x1x16xf32>,
        %get3A_510 = vector.shape_cast %get3A_509 : vector<1x1x16xf32> to vector<16xf32>
        %get3A_511 = arith.constant 1 : i32
        %get3A_512 = arith.index_cast %get3A_511 : i32 to index
        %get3A_513 = arith.index_cast %add3A_360 : i32 to index
        %get3A_514 = arith.constant 112 : index
        %get3A_515 = tpu.vector_load %arg8[%get3A_512, %get3A_513, %get3A_514] {strides = array<i32>} : memref<2x128x128xf32, #tpu.memory_space<vmem>>, vector<1x1x16xf32>,
        %get3A_516 = vector.shape_cast %get3A_515 : vector<1x1x16xf32> to vector<16xf32>
        %mul3A_517 = arith.mulf %get3A_510, %get3A_516 : vector<16xf32>
        %get3A_518 = arith.constant 1 : i32
        %get3A_519 = arith.index_cast %get3A_518 : i32 to index
        %get3A_520 = arith.index_cast %add3A_360 : i32 to index
        %get3A_521 = arith.constant 112 : index
        %get3A_522 = tpu.vector_load %arg10[%get3A_519, %get3A_520, %get3A_521] {strides = array<i32>} : memref<2x128x128xf32, #tpu.memory_space<vmem>>, vector<1x1x16xf32>,
        %get3A_523 = vector.shape_cast %get3A_522 : vector<1x1x16xf32> to vector<16xf32>
        %mul3A_524 = arith.mulf %mul3A_517, %get3A_523 : vector<16xf32>
        %add3A_525 = arith.addf %add3A_483, %mul3A_524 : vector<16xf32>
        %add3A_526 = arith.addf %add3A_504, %add3A_525 : vector<16xf32>
        %xor3A = arith.constant 8 : i32
        %xor3A_527 = vector.broadcast %xor3A : i32 to vector<16xi32>
        %xor3A_528 = arith.xori %iota3A, %xor3A_527 : vector<16xi32>
        %broadcast_in_dim3A_529 = vector.shape_cast %xor3A_528 : vector<16xi32> to vector<16x1xi32>
        %gather3A = vector.shape_cast %broadcast_in_dim3A_529 : vector<16x1xi32> to vector<16xi32>
        %gather3A_530 = tpu.dynamic_gather %add3A_526[%gather3A] in [0] : vector<16xf32>, vector<16xi32> -> vector<16xf32>
        %add3A_531 = arith.addf %add3A_526, %gather3A_530 : vector<16xf32>
        %xor3A_532 = arith.constant 4 : i32
        %xor3A_533 = vector.broadcast %xor3A_532 : i32 to vector<16xi32>
        %xor3A_534 = arith.xori %iota3A, %xor3A_533 : vector<16xi32>
        %broadcast_in_dim3A_535 = vector.shape_cast %xor3A_534 : vector<16xi32> to vector<16x1xi32>
        %gather3A_536 = vector.shape_cast %broadcast_in_dim3A_535 : vector<16x1xi32> to vector<16xi32>
        %gather3A_537 = tpu.dynamic_gather %add3A_531[%gather3A_536] in [0] : vector<16xf32>, vector<16xi32> -> vector<16xf32>
        %add3A_538 = arith.addf %add3A_531, %gather3A_537 : vector<16xf32>
        %xor3A_539 = arith.constant 2 : i32
        %xor3A_540 = vector.broadcast %xor3A_539 : i32 to vector<16xi32>
        %xor3A_541 = arith.xori %iota3A, %xor3A_540 : vector<16xi32>
        %broadcast_in_dim3A_542 = vector.shape_cast %xor3A_541 : vector<16xi32> to vector<16x1xi32>
        %gather3A_543 = vector.shape_cast %broadcast_in_dim3A_542 : vector<16x1xi32> to vector<16xi32>
        %gather3A_544 = tpu.dynamic_gather %add3A_538[%gather3A_543] in [0] : vector<16xf32>, vector<16xi32> -> vector<16xf32>
        %add3A_545 = arith.addf %add3A_538, %gather3A_544 : vector<16xf32>
        %xor3A_546 = arith.constant 1 : i32
        %xor3A_547 = vector.broadcast %xor3A_546 : i32 to vector<16xi32>
        %xor3A_548 = arith.xori %iota3A, %xor3A_547 : vector<16xi32>
        %broadcast_in_dim3A_549 = vector.shape_cast %xor3A_548 : vector<16xi32> to vector<16x1xi32>
        %gather3A_550 = vector.shape_cast %broadcast_in_dim3A_549 : vector<16x1xi32> to vector<16xi32>
        %gather3A_551 = tpu.dynamic_gather %add3A_545[%gather3A_550] in [0] : vector<16xf32>, vector<16xi32> -> vector<16xf32>
        %add3A_552 = arith.addf %add3A_545, %gather3A_551 : vector<16xf32>
        %eq3A_553 = vector.broadcast %scan3A_358 : i32 to vector<16xi32>
        %eq3A_554 = arith.cmpi eq, %iota3A, %eq3A_553 : vector<16xi32>
        %select_n3A = arith.select %eq3A_554, %add3A_552, %scan3A_359 : vector<16xi1>, vector<16xf32>
        scf.yield %select_n3A : vector<16xf32>
      }
      %scan3A_351 = arith.constant 16 : i32
      %swap3A = arith.constant 1 : i32
      %swap3A_352 = arith.index_cast %swap3A : i32 to index
      %swap3A_353 = arith.index_cast %mul3A_344 : i32 to index
      %swap3A_354 = tpu.vector_load %arg11[%swap3A_352, %swap3A_353] {strides = array<i32>} : memref<2x128xf32, #tpu.memory_space<vmem>>, vector<1x16xf32>,
      %swap3A_355 = vector.shape_cast %swap3A_354 : vector<1x16xf32> to vector<16xf32>
      %swap3A_356 = vector.shape_cast %scan3A_350 : vector<16xf32> to vector<1x16xf32>
      tpu.vector_store %arg11[%swap3A_352, %swap3A_353], %swap3A_356 {strides = array<i32>} : memref<2x128xf32, #tpu.memory_space<vmem>>, vector<1x16xf32>,
      %scan3A_357 = arith.constant 0 : i32
      scf.yield %scan3A_357 : i32
    }
    %scan3A_337 = arith.constant 8 : i32
    %add3A_338 = arith.constant 384 : i32
    %add3A_339 = arith.addi %mul3A_2, %add3A_338 : i32
    %run_scoped3A_340 = arith.constant 1 : i32
    "tpu.region"() ({
      %run_scoped3A_341 = tpu.sem_alloc : memref<!tpu.dma_semaphore, #tpu.memory_space<semaphore_mem>>
      %dma_start3A_342 = arith.constant 0 : i32
      %dma_start3A_343 = tpu.memref_slice %arg11[%run_scoped3A_340, %dma_start3A_342] : memref<2x128xf32, #tpu.memory_space<vmem>> -> memref<1x128xf32, #tpu.memory_space<vmem>>
      %dma_start3A_344 = tpu.memref_squeeze %dma_start3A_343 : memref<1x128xf32, #tpu.memory_space<vmem>> -> memref<128xf32, #tpu.memory_space<vmem>>
      %dma_start3A_345 = tpu.memref_slice %arg6[%add3A_339] : memref<16384xf32, #tpu.memory_space<hbm>> -> memref<128xf32, #tpu.memory_space<hbm>>
      %dma_start3A_346 = tpu.memref_slice %arg6[%add3A_339] : memref<16384xf32, #tpu.memory_space<hbm>> -> memref<128xf32, #tpu.memory_space<hbm>>
      %dma_start3A_347 = arith.constant 0 : i32
      %dma_start3A_348 = tpu.memref_slice %arg11[%run_scoped3A_340, %dma_start3A_347] : memref<2x128xf32, #tpu.memory_space<vmem>> -> memref<1x128xf32, #tpu.memory_space<vmem>>
      %dma_start3A_349 = tpu.memref_squeeze %dma_start3A_348 : memref<1x128xf32, #tpu.memory_space<vmem>> -> memref<128xf32, #tpu.memory_space<vmem>>
      tpu.enqueue_dma source(%dma_start3A_349 : memref<128xf32, #tpu.memory_space<vmem>>) target(%dma_start3A_346 : memref<128xf32, #tpu.memory_space<hbm>>) target_semaphore(%run_scoped3A_341 : memref<!tpu.dma_semaphore, #tpu.memory_space<semaphore_mem>>)
      %dma_wait3A_350 = arith.constant 0 : i32
      %dma_wait3A_351 = tpu.memref_slice %arg11[%run_scoped3A_340, %dma_wait3A_350] : memref<2x128xf32, #tpu.memory_space<vmem>> -> memref<1x128xf32, #tpu.memory_space<vmem>>
      %dma_wait3A_352 = tpu.memref_squeeze %dma_wait3A_351 : memref<1x128xf32, #tpu.memory_space<vmem>> -> memref<128xf32, #tpu.memory_space<vmem>>
      %dma_wait3A_353 = tpu.memref_slice %arg6[%add3A_339] : memref<16384xf32, #tpu.memory_space<hbm>> -> memref<128xf32, #tpu.memory_space<hbm>>
      %dma_wait3A_354 = tpu.memref_slice %arg6[%add3A_339] : memref<16384xf32, #tpu.memory_space<hbm>> -> memref<128xf32, #tpu.memory_space<hbm>>
      %dma_wait3A_355 = arith.constant 0 : i32
      %dma_wait3A_356 = tpu.memref_slice %arg11[%run_scoped3A_340, %dma_wait3A_355] : memref<2x128xf32, #tpu.memory_space<vmem>> -> memref<1x128xf32, #tpu.memory_space<vmem>>
      %dma_wait3A_357 = tpu.memref_squeeze %dma_wait3A_356 : memref<1x128xf32, #tpu.memory_space<vmem>> -> memref<128xf32, #tpu.memory_space<vmem>>
      tpu.wait_dma2 semaphore(%run_scoped3A_341 : memref<!tpu.dma_semaphore, #tpu.memory_space<semaphore_mem>>) src(%dma_wait3A_357 : memref<128xf32, #tpu.memory_space<vmem>>) dst(%dma_wait3A_354 : memref<128xf32, #tpu.memory_space<hbm>>)
      tpu.yield
    }) : () -> ()
    return
  }
}

</mosaic_0001>

<sc_bundles>
// kernel: kernel.3.cloned.1.call-start
scs
__scs_entry_jumppad:
0x0: {  	(pc) =	sbr.rel $0x88, $3  }
0x1: {  	(tag) =	ssettag $0x0;
	lr =	simm.s32 $0x1  }
0x2: {  	[smem:$0x3F9D] =	sst lr;
	_ =	strace $0xD0000000  }
0x3: {  	_ = 	snop  }
0x4: {  	_ = 	snop  }
0x5: {  	_ = 	snop  }
0x6: {  	_ = 	snop  }
0x7: {  	_ = 	snop  }
__scs_overlays_trampoline_lowered:
0x8: {  	[smem:$0x3FAC] =	sst s0  }
0x9: {  	[smem:$0x3FAD] =	sst s1  }
0xa: {  	[smem:$0x3FAE] =	sst s2  }
0xb: {  	[smem:$0x3FAF] =	sst s3  }
0xc: {  	[smem:$0x3FB0] =	sst s4  }
0xd: {  	[smem:$0x3FB1] =	sst s5  }
0xe: {  	[smem:$0x3FB2] =	sst s6  }
0xf: {  	[smem:$0x3FB3] =	sst s7  }
0x10: {  	[smem:$0x3FB4] =	sst s8  }
0x11: {  	[smem:$0x3FB5] =	sst s9;
	s0 =	simm.s32 @!p0 $0x0  }
0x12: {  	s1 =	sld [smem:$0x3F9B];
	s0 =	simm.s32 @p0 $0x1  }
0x13: {  	[smem:$0x3FB6] =	sst s0;
	s0 =	simm.s32 @!p1 $0x0  }
0x14: {  	s2 =	sld [smem:$0x3F9A];
	s0 =	simm.s32 @p1 $0x1  }
0x15: {  	[smem:$0x3FB7] =	sst s0;
	s0 =	simm.s32 @!p2 $0x0  }
0x16: {  	s3 =	sld [smem:$0x3FDB];
	s0 =	simm.s32 @p2 $0x1  }
0x17: {  	s4 =	simm.s32 $0x1BF5;
	[smem:$0x3FB9] =	sst s0  }
0x18: {  	s0 =	sld [smem:$0x3F9C];
	_ =	swait.ge [sflag:s4], $0x0  }
0x19: {  	s7 =	sld [smem:$0x3F9D]  }
0x1a: {  	s8 =	sadd.s32 $0xFFFFE003, lr  }
0x1b: {  	s9 =	sadd.s32 $0xFFFFFEF7, lr;
	s5 =	simm.s32 $0xFFFFFFFF;
	p2 =	slt.u32 s8, $0xFFFFF086  }
0x1c: {  	p1 =	slt.u32 s9, $0xF7A;
	s5 =	simm.s32 @!p2 $0x0  }
0x1d: {  	s5 =	simm.s32 @p1 $0x1;
	p0 =	seq.s32 s7, s2  }
0x1e: {  	s7 =	smul.u32 @!p0 $0xF7A, s2;
	p2 =	seq.s32 @!p0 s5, $0x0  }
0x1f: {  	s9 =	smul.u32 $0xF7A, s1;
	s8 =	simm.s32 @!p0 $0x1BF5;
	p2 =	por !p2, p0  }
0x20: {  	[sflag:s8] =	ssyncset.s32 @!p0 $0xFFFFF086;
	s6 =	sadd.s32 @!p0 s3, s7;
	s7 =	simm.s32 @!p0 $0x108  }
0x21: {  	s3 =	sadd.s32 s3, s9;
	s6 =	sadd.s32 @!p0 $0x88, s6;
	s7 =	simm.s32 @p2 $0x1082  }
0x22: {  	[simem:s7], [sflag:s8] =	dma.local @!p0 [hbm:s6], $0xF7A  }
0x23: {  	s9 =	sor.u32 $0xD0000000, s2;
	s6 =	simm.s32 $0x108;
	_ =	swait.ge @!p0 [sflag:s8], $0x0  }
0x24: {  	s3 =	sadd.s32 $0x88, s3;
	s6 =	simm.s32 @!p1 $0x1082;
	[sflag:s4] =	ssyncset.s32 $0xFFFFF086  }
0x25: {  	[simem:s6], [sflag:s4] =	dma.local [hbm:s3], $0xF7A  }
0x26: {  	[smem:$0x3F9D] =	sst s1;
	(tag) =	ssettag s2;
	_ =	strace s9  }
0x27: {  	s1 =	sld [smem:$0x3FAD]  }
0x28: {  	s2 =	sld [smem:$0x3FAE]  }
0x29: {  	s4 =	sld [smem:$0x3FB0]  }
0x2a: {  	p0 =	seq.s32 s5, $0x0;
	s5 =	sld [smem:$0x3FB1]  }
0x2b: {  	s6 =	sld [smem:$0x3FB2]  }
0x2c: {  	s7 =	sld [smem:$0x3FB3]  }
0x2d: {  	s3 =	simm.s32 $0x108;
	s8 =	sld [smem:$0x3FB4]  }
0x2e: {  	s3 =	simm.s32 @!p0 $0x1082;
	s9 =	sld [smem:$0x3FB5]  }
0x2f: {  	lr =	sadd.s32 s0, s3;
	s0 =	sld [smem:$0x3FAC]  }
0x30: {  	s3 =	sld [smem:$0x3FAF]  }
0x31: {  	[smem:$0x3FB8] =	sst s10  }
0x32: {  	s10 =	sld [smem:$0x3FB6];
	_ =	sdelay $0x3  }
0x33: {  	p0 =	seq.s32 s10, $0x1;
	s10 =	sld [smem:$0x3FB8];
	_ =	sdelay $0x3  }
0x34: {  	[smem:$0x3FB8] =	sst s10  }
0x35: {  	s10 =	sld [smem:$0x3FB7];
	_ =	sdelay $0x3  }
0x36: {  	p1 =	seq.s32 s10, $0x1;
	s10 =	sld [smem:$0x3FB8];
	_ =	sdelay $0x3  }
0x37: {  	[smem:$0x3FB8] =	sst s10  }
0x38: {  	s10 =	sld [smem:$0x3FB9]  }
0x39: {  	_ = 	snop;
	(pc) =	sbr.ind lr, $3  }
0x3a: {  	_ = 	snop  }
0x3b: {  	_ = 	snop  }
0x3c: {  	p2 =	seq.s32 s10, $0x1;
	s10 =	sld [smem:$0x3FB8]  }
0x3d: {  	_ =	shalt  }
0x3e: {  	_ =	shalt  }
0x3f: {  	_ =	shalt  }
0x40: {  	_ =	shalt  }
0x41: {  	_ =	shalt  }
0x42: {  	_ =	shalt  }
0x43: {  	_ =	shalt  }
0x44: {  	_ =	shalt  }
0x45: {  	_ =	shalt  }
0x46: {  	_ =	shalt  }
0x47: {  	_ =	shalt  }
0x48: {  	_ =	shalt  }
0x49: {  	_ =	shalt  }
0x4a: {  	_ =	shalt  }
0x4b: {  	_ =	shalt  }
0x4c: {  	_ =	shalt  }
0x4d: {  	_ =	shalt  }
0x4e: {  	_ =	shalt  }
0x4f: {  	_ =	shalt  }
0x50: {  	_ =	shalt  }
0x51: {  	_ =	shalt  }
0x52: {  	_ =	shalt  }
0x53: {  	_ =	shalt  }
0x54: {  	_ =	shalt  }
0x55: {  	_ =	shalt  }
0x56: {  	_ =	shalt  }
0x57: {  	_ =	shalt  }
0x58: {  	_ =	shalt  }
0x59: {  	_ =	shalt  }
0x5a: {  	_ =	shalt  }
0x5b: {  	_ =	shalt  }
0x5c: {  	_ =	shalt  }
0x5d: {  	_ =	shalt  }
0x5e: {  	_ =	shalt  }
0x5f: {  	_ =	shalt  }
0x60: {  	_ =	shalt  }
0x61: {  	_ =	shalt  }
0x62: {  	_ =	shalt  }
0x63: {  	_ =	shalt  }
0x64: {  	_ =	shalt  }
0x65: {  	_ =	shalt  }
0x66: {  	_ =	shalt  }
0x67: {  	_ =	shalt  }
0x68: {  	_ =	shalt  }
0x69: {  	_ =	shalt  }
0x6a: {  	_ =	shalt  }
0x6b: {  	_ =	shalt  }
0x6c: {  	_ =	shalt  }
0x6d: {  	_ =	shalt  }
0x6e: {  	_ =	shalt  }
0x6f: {  	_ =	shalt  }
0x70: {  	_ =	shalt  }
0x71: {  	_ =	shalt  }
0x72: {  	_ =	shalt  }
0x73: {  	_ =	shalt  }
0x74: {  	_ =	shalt  }
0x75: {  	_ =	shalt  }
0x76: {  	_ =	shalt  }
0x77: {  	_ =	shalt  }
0x78: {  	_ =	shalt  }
0x79: {  	_ =	shalt  }
0x7a: {  	_ =	shalt  }
0x7b: {  	_ =	shalt  }
0x7c: {  	_ =	shalt  }
0x7d: {  	_ =	shalt  }
0x7e: {  	_ =	shalt  }
0x7f: {  	_ =	shalt  }
0x80: {  	_ =	shalt  }
0x81: {  	_ =	shalt  }
0x82: {  	_ =	shalt  }
0x83: {  	_ =	shalt  }
0x84: {  	_ =	shalt  }
0x85: {  	_ =	shalt  }
0x86: {  	_ =	shalt  }
0x87: {  	_ =	shalt  }
.Lfunc_end0:
.L_simem_size_0:
called_computation_lowered:
.L_overlay_start_0:
0x88: {  	s2 =	sld [smem:$0x3FD9]  }
0x89: {  	s3 =	sld [smem:$0x3FFE];
	_ =	sdelay $0x1  }
0x8a: {  	s1 =	srdreg.scid  }
0x8b: {  	s0 =	sand.u32 $0x1, s1  }
0x8c: {  	s18 =	sshll.u32 s0, $0xA;
	s2 =	sadd.s32 s3, s2  }
0x8d: {  	s2 =	sadd.s32 s2, s18  }
0x8e: {  	[smem:$0x3FC4] =	sst s2  }
0x8f: {  	_ = 	snop  }
0x90: {  	s2 =	sld [smem:$0x3FC9]  }
0x91: {  	s19 =	sld [smem:$0x3FC8]  }
0x92: {  	s4 =	sld [smem:$0x3FC7]  }
0x93: {  	s5 =	sld [smem:$0x3FC6]  }
0x94: {  	s6 =	sld [smem:$0x3FD0];
	(tm) =	ssettm $0x1  }
0x95: {  	s7 =	sld [smem:$0x3FFB];
	_ =	sdelay $0x3  }
0x96: {  	_ =	strace s7  }
0x97: {  	s7 =	sld [smem:$0x3FFC];
	_ =	sdelay $0x3  }
0x98: {  	_ =	strace s7  }
0x99: {  	s7 =	sld [smem:$0x3FFD];
	_ =	sdelay $0x3  }
0x9a: {  	_ =	strace s7  }
0x9b: {  	_ =	strace $0x8FFFFFFF  }
0x9c: {  	s20 =	sld [smem:$0x3FDB];
	_ =	sdelay $0x1  }
0x9d: {  	s8 =	simm.s32 $_scs_section_size  }
0x9e: {  	s9 =	simm.s32 $_size__tile_overlayer_lowered;
	s10 =	simm.s32 $_tile_overlayer_lowered  }
0x9f: {  	s23 =	simm.s32 $0x1BFF;
	s22 =	sshll.u32 s10, $0x1;
	s7 =	sadd.s32 s8, s20  }
0xa0: {  	s11 =	simm.s32 $0x0;
	s21 =	sshll.u32 s9, $0x1;
	s9 =	sadd.s32 s22, s7  }
0xa1: {  	[timem:s11], [sflag:s23] =	dma.local [hbm:s9], s21  }
0xa2: {  	_ =	swait.ge [sflag:s23], s21  }
0xa3: {  	s8 =	ssub.s32 $0x0, s21;
	[sflag:s23] =	ssyncset.done $0x0  }
0xa4: {  	[sflag:s23] =	ssyncadd.s32 s8;
	_ =	sdelay $0x1  }
0xa5: {  	s24 =	simm.s32 $0x1B8B  }
0xa6: {  	_ =	swait.ge [sflag:s24], $0x1  }
0xa7: {  	[sflag:s24] =	ssyncset.done $0x0  }
0xa8: {  	s25 =	simm.s32 $0x1B8E;
	[sflag:s24] =	ssyncadd.s32 $0xFFFFFFFF  }
0xa9: {  	s26 =	simm.s32 $execute0_lowered;
	[smem:$0x3FD2] =	sst s25  }
0xaa: {  	s8 =	sshll.u32 s26, $0x1;
	_ =	strace $0x80000046;
	[dreg:$0x1] =	wrdreg $0xFFFFFFFF  }
0xab: {  	s28 =	simm.s32 $_size_execute0_lowered;
	s7 =	sadd.s32 s7, s8;
	[dreg:$0x0] =	wrdreg $0x0  }
0xac: {  	s8 =	sshll.u32 s28, $0x1;
	[dreg:$0x2] =	wrdreg s7  }
0xad: {  	[dreg:$0x3] =	wrdreg s8  }
0xae: {  	[dreg:$0x4] =	wrdreg $0xC0  }
0xaf: {  	_ =	task [dreg:s11], $0x5FFFF  }
0xb0: {  	[dreg:$0x1] =	wrdreg $0xFFFFFFFF  }
0xb1: {  	[dreg:$0x0] =	wrdreg $0x60  }
0xb2: {  	[dreg:$0x2] =	wrdreg s2  }
0xb3: {  	[dreg:$0x3] =	wrdreg s19  }
0xb4: {  	[dreg:$0x4] =	wrdreg s4  }
0xb5: {  	[dreg:$0x5] =	wrdreg s5  }
0xb6: {  	[dreg:$0x6] =	wrdreg s6  }
0xb7: {  	[dreg:$0x7] =	wrdreg $0x183000  }
0xb8: {  	[dreg:$0x8] =	wrdreg $0x9  }
0xb9: {  	_ =	task.clear_ibuf [dreg:s11], $0x9FFFF;
	_ =	strace $0x90000046  }
0xba: {  	s29 =	simm.s32 $0x9;
	_ =	strace $0x80000048  }
0xbb: {  	_ =	swait.ge [sflag:s29], $0x1  }
0xbc: {  	[sflag:s29] =	ssyncadd.s32 $0xFFFFFFFF  }
0xbd: {  	_ =	strace $0x90000048  }
0xbe: {  	_ =	sfence  }
0xbf: {  	s30 =	sld [smem:$0x0];
	_ =	sdelay $0x2  }
0xc0: {  	s31 =	sshll.u32 s1, $0xD;
	s1 =	sshrl.u32 s1, $0x2  }
0xc1: {  	s3 =	sand.u32 $0x4000, s31;
	s1 =	sadd.s32 s1, s30  }
0xc2: {  	s0 =	sor.u32 s3, s0;
	s1 =	sshll.u32 s1, $0x11  }
0xc3: {  	s0 =	sor.u32 s1, s0  }
0xc4: {  	s0 =	sadd.s32 $0x8F2B, s0  }
0xc5: {  	[sflag:s0] =	ssyncadd.remote.s32 $0x1  }
0xc6: {  	_ =	sfence.sel $0xFFFF  }
0xc7: {  	[dreg:$0x0] =	wrdreg $0xFFFFFFFF;
	(pc) =	sbr.abs _section_cstart, $3  }
0xc8: {  	[dreg:$0x1] =	wrdreg $0xFFFFFFFF  }
0xc9: {  	_ =	task.clear_ibuf [dreg:s11], $0x2FFFF;
	_ =	strace $0x9FFFFFFF  }
0xca: {  	(tm) =	ssettm $0x7FFFFFFF  }
0xcb: {  	_ =	shalt  }
tec
execute0_lowered:
.L_overlay_start_1:
0x0: {  	(tag) =	ssettag $0x1  }
0x1: {  	s0 =	rddreg [dreg:$0x0]  }
0x2: {  	s1 =	rddreg [dreg:$0x1]  }
0x3: {  	s4 =	rddreg [dreg:$0x2]  }
0x4: {  	s5 =	rddreg [dreg:$0x3]  }
0x5: {  	s6 =	rddreg [dreg:$0x4]  }
0x6: {  	s2 =	rddreg [dreg:$0x5];
	s7 =	srdreg.scid  }
0x7: {  	s3 =	simm.s32 $0x0;
	s13 =	stileid.u32;
	s28 =	simm.s32 $0x4200  }
0x8: {  	s29 =	simm.s32 $0xC200;
	s30 =	simm.s32 $0x14200;
	s31 =	simm.s32 $0x1  }
0x9: {  	s7 =	sand.u32 $0x1, s7;
	s9 =	sshll.u32 s13, $0xA;
	[smem:$0x7FF] =	sst s3  }
0xa: {  	s12 =	sshll.u32 s13, $0xD;
	p0 =	seq.s32 s13, $0xF;
	s8 =	ssub.s32 $0x2, s7  }
0xb: {  	s7 =	sshll.u32 s7, $0x9;
	_ =	strace $0x80000047;
	s10 =	sshrl.u32 s8, $0x1  }
0xc: {  	s7 =	sor.u32 s7, s9;
	s9 =	sadd.s32 s5, s9;
	s5 =	sadd.s32 $0x3C00, s5  }
0xd: {  	s8 =	ssub.s32 s8, s10;
	s15 =	sshll.u32 s7, $0x4;
	s16 =	sshrl.u32 s7, $0x3  }
0xe: {  	[dreg:$0xa] =	wrdreg s9;
	s9 =	sadd.s32 $0x1E000, s2;
	s17 =	sor.u32 $0x80, s7  }
0xf: {  	[dreg:$0xb] =	wrdreg s5;
	s19 =	sor.u32 $0x100, s7;
	s7 =	sor.u32 $0x180, s7  }
0x10: {  	s11 =	sadd.s32 s0, s15;
	s10 =	sadd.s32 s4, s15;
	s1 =	sadd.s32 s1, s16  }
0x11: {  	s18 =	sshll.u32 s17, $0x4;
	s20 =	sshll.u32 s19, $0x4;
	[dreg:$0x7] =	wrdreg s11  }
0x12: {  	s22 =	sshrl.u32 s17, $0x3;
	s23 =	sshll.u32 s7, $0x4;
	[dreg:$0x8] =	wrdreg s10  }
0x13: {  	s25 =	sshrl.u32 s19, $0x3;
	[dreg:$0x9] =	wrdreg s1;
	s14 =	sadd.s32 s0, s18  }
0x14: {  	v0 =	vimm.s32 $0xFEDCBA98;
	v1 =	vimm.s32 $0x76543210;
	s26 =	sshrl.u32 s7, $0x3;
	s5 =	sadd.s32 s4, s18;
	[dreg:$0xc] =	wrdreg s14  }
0x15: {  	v2 =	vimm.s32 $0xBA98FEDC;
	v3 =	vimm.s32 $0x32107654;
	v4 =	vimm.s32 $0xDCFE98BA;
	s19 =	smax.u32 s8, $0x1;
	s11 =	sadd.s32 s6, s16;
	[dreg:$0xd] =	wrdreg s5  }
0x16: {  	v5 =	vimm.s32 $0x54761032;
	v6 =	vimm.s32 $0xEFCDAB89;
	v7 =	vimm.s32 $0x67452301;
	s1 =	sadd.s32 s12, s2;
	s21 =	sadd.s32 s0, s20;
	[dreg:$0xe] =	wrdreg s11  }
0x17: {  	v0 =	vunpack.c.l.s4.s8 v0;
	v1 =	vunpack.c.l.s4.s8 v1;
	v2 =	vunpack.c.l.s4.s8 v2;
	s0 =	sadd.s32 s0, s23;
	s24 =	sadd.s32 s4, s23;
	[dreg:$0xf] =	wrdreg s21  }
0x18: {  	v3 =	vunpack.c.l.s4.s8 v3;
	v4 =	vunpack.c.l.s4.s8 v4;
	v5 =	vunpack.c.l.s4.s8 v5;
	s18 =	sadd.s32 s6, s26;
	s23 =	sshrl.u32 @p0 s9, $0x3;
	[dreg:$0x12] =	wrdreg s0  }
0x19: {  	v6 =	vunpack.c.l.s4.s8 v6;
	v7 =	vunpack.c.l.s4.s8 v7;
	v0 =	vunpack.c.0.s8.s32 v0;
	s26 =	simm.s32 $0x4;
	s5 =	sadd.s32 s4, s20;
	[dreg:$0x13] =	wrdreg s24  }
0x1a: {  	v1 =	vunpack.c.0.s8.s32 v1;
	v2 =	vunpack.c.0.s8.s32 v2;
	v3 =	vunpack.c.0.s8.s32 v3;
	s0 =	sadd.s32 s6, s25;
	s24 =	sshrl.u32 @!p0 s1, $0x3;
	s25 =	simm.s32 $0x80  }
0x1b: {  	v4 =	vunpack.c.0.s8.s32 v4;
	v5 =	vunpack.c.0.s8.s32 v5;
	v0 =	vand.u32 $0xF, v0;
	s20 =	simm.s32 $0x3;
	s21 =	simm.s32 $0x18200;
	s1 =	simm.s32 $0x5  }
0x1c: {  	v6 =	vunpack.c.0.s8.s32 v6;
	v7 =	vunpack.c.0.s8.s32 v7;
	v0 =	vcombine.low v0, v1;
	s4 =	simm.s32 $0x6;
	[dreg:$0x10] =	wrdreg s5;
	s5 =	sadd.s32 s6, s22  }
0x1d: {  	v1 =	vcombine.low v3, v2;
	v2 =	vcombine.low v5, v4;
	[dreg:$0x14] =	wrdreg s0;
	s22 =	simm.s32 $0x7;
	s0 =	simm.s32 $0x2  }
0x1e: {  	v3 =	vcombine.low v7, v6;
	v4 =	vlaneseq.u32;
	s6 =	simm.s32 $0x0;
	[dreg:$0x11] =	wrdreg s5;
	s5 =	simm.s32 $0x18280  }
.LBB2_1:
0x1f: {  	s7 =	rddreg [dreg:$0x7];
	s8 =	simm.s32 $0x8200  }
0x20: {  	[tilespmem:s8], [sflag:$0x2] =	stream.linear.gather [hbm4b:s7+s3], $0x4000, $0x38;
	[tilespmem:$0x1A240] =	vst v63  }
0x21: {  	s12 =	rddreg [dreg:$0x8];
	s13 =	simm.s32 $0x10200  }
0x22: {  	[tilespmem:s13], [sflag:$0x3] =	stream.linear.gather [hbm4b:s12+s3], $0x4000, $0x38;
	[tilespmem:$0x1A240] =	vst v63  }
0x23: {  	s14 =	rddreg [dreg:$0x9]  }
0x24: {  	[tilespmem:s3], [sflag:$0x7] =	stream.linear.gather [hbm4b:s14+s3], $0x200, $0x38;
	[tilespmem:$0x1A240] =	vst v63  }
0x25: {  	_ =	swait.ge [sflag:s22], $0x200  }
0x26: {  	[sflag:s22] =	ssyncset.done $0x0  }
0x27: {  	s7 =	simm.s32 @p0 $0x1FC7;
	s8 =	rddreg [dreg:$0xb];
	[sflag:s22] =	ssyncadd.s32 $0xFFFFFE00  }
0x28: {  	[spmem:s23], [sflag:s7] =	dma.local @p0 [hbm:s8], $0x280  }
0x29: {  	s7 =	simm.s32 @p0 $0x7  }
0x2a: {  	s8 =	stileid.u32;
	_ =	swait.ge @p0 [sflag:s7], $0x280  }
0x2b: {  	s8 =	sshll.u32 @!p0 s8, $0x6;
	[sflag:s7] =	ssyncset.done @p0 $0x0  }
0x2c: {  	[sflag:s7] =	ssyncadd.s32 @p0 $0xFFFFFD80;
	s7 =	sor.u32 @!p0 $0x1C07, s8;
	s8 =	rddreg [dreg:$0xa]  }
0x2d: {  	[spmem:s24], [sflag:s7] =	dma.local @!p0 [hbm:s8], $0x400  }
0x2e: {  	s7 =	simm.s32 @!p0 $0x7  }
0x2f: {  	_ =	swait.ge @!p0 [sflag:s7], $0x400  }
0x30: {  	[sflag:s7] =	ssyncset.done @!p0 $0x0  }
0x31: {  	[sflag:s7] =	ssyncadd.s32 @!p0 $0xFFFFFC00  }
0x32: {  	s15 =	simm.s32 $0x200;
	[bflag:$0x0] =	sbarrier.arrive $0xFFFF  }
0x33: {  	[tilespmem:s15], [sflag:$0x1] =	stream.indirect.gather [spmem:s2], $0x80, s3, s25, $0xb8;
	[tilespmem:$0x1A240] =	vst v63  }
0x34: {  	_ = 	snop  }
0x35: {  	[tilespmem:s28], [sflag:$0x4] =	stream.indirect.gather [spmem:s2], $0x80, s25, s25, $0xb8;
	[tilespmem:$0x1A240] =	vst v63  }
0x36: {  	s16 =	rddreg [dreg:$0xc]  }
0x37: {  	[tilespmem:s29], [sflag:$0x5] =	stream.linear.gather [hbm4b:s16+s3], $0x4000, $0x38;
	[tilespmem:$0x1A240] =	vst v63  }
0x38: {  	s17 =	rddreg [dreg:$0xd]  }
0x39: {  	[tilespmem:s30], [sflag:$0x6] =	stream.linear.gather [hbm4b:s17+s3], $0x4000, $0x38;
	[tilespmem:$0x1A240] =	vst v63  }
0x3a: {  	_ =	swait.ge [sflag:s31], $0x4000  }
0x3b: {  	[sflag:s31] =	ssyncset.done $0x0  }
0x3c: {  	[sflag:s31] =	ssyncadd.s32 $0xFFFFC000  }
0x3d: {  	_ =	swait.ge [sflag:s0], $0x4000  }
0x3e: {  	[sflag:s0] =	ssyncset.done $0x0  }
0x3f: {  	[sflag:s0] =	ssyncadd.s32 $0xFFFFC000  }
0x40: {  	_ =	swait.ge [sflag:s20], $0x4000  }
0x41: {  	s9 =	simm.s32 $0x10240;
	s10 =	simm.s32 $0x0;
	[sflag:s20] =	ssyncset.done $0x0  }
0x42: {  	s8 =	simm.s32 $0x240;
	s7 =	simm.s32 $0x8240;
	[sflag:s20] =	ssyncadd.s32 $0xFFFFC000  }
.LBB2_2:
0x43: {  	v5 =	vld [tilespmem:s9+$0x0]  }
0x44: {  	v6 =	vld [tilespmem:s7+$0x20]  }
0x45: {  	v7 =	vld [tilespmem:s8+$0x20]  }
0x46: {  	v8 =	vld [tilespmem:s7+$0x30]  }
0x47: {  	v10 =	vld [tilespmem:s8+$0x30]  }
0x48: {  	v9 =	vld [tilespmem:s9+$0xFFFFFFC0]  }
0x49: {  	v11 =	vld [tilespmem:s9+$0xFFFFFFD0]  }
0x4a: {  	v12 =	vld [tilespmem:s7+$0x0]  }
0x4b: {  	v13 =	vld [tilespmem:s8+$0x0]  }
0x4c: {  	v14 =	vld [tilespmem:s7+$0x10]  }
0x4d: {  	v15 =	vld [tilespmem:s8+$0x10]  }
0x4e: {  	v16 =	vld [tilespmem:s7+$0xFFFFFFC0]  }
0x4f: {  	v17 =	vld [tilespmem:s8+$0xFFFFFFC0]  }
0x50: {  	v18 =	vld [tilespmem:s7+$0xFFFFFFD0]  }
0x51: {  	v19 =	vld [tilespmem:s8+$0xFFFFFFD0]  }
0x52: {  	v20 =	vld [tilespmem:s7+$0xFFFFFFE0]  }
0x53: {  	v21 =	vld [tilespmem:s8+$0xFFFFFFE0]  }
0x54: {  	v22 =	vld [tilespmem:s7+$0xFFFFFFF0]  }
0x55: {  	v23 =	vld [tilespmem:s8+$0xFFFFFFF0]  }
0x56: {  	v24 =	vld [tilespmem:s9+$0xFFFFFFE0]  }
0x57: {  	v25 =	vld [tilespmem:s9+$0xFFFFFFF0];
	v26 =	vmul.f32 v7, v6  }
0x58: {  	v27 =	vld [tilespmem:s9+$0x10];
	v7 =	vmul.f32 v13, v12;
	v12 =	vmul.f32 v17, v16  }
0x59: {  	v13 =	vld [tilespmem:s9+$0x20];
	v14 =	vmul.f32 v15, v14;
	v15 =	vmul.f32 v19, v18  }
0x5a: {  	s11 =	sadd.s32 $0x80, s9;
	v16 =	vld [tilespmem:s9+$0x30];
	v17 =	vmul.f32 v21, v20;
	v18 =	vmul.f32 v23, v22  }
0x5b: {  	s16 =	sadd.s32 $0x80, s8;
	v6 =	vld [tilespmem:s11+$0x0];
	v19 =	vmul.f32 v9, v12;
	v11 =	vmul.f32 v11, v15  }
0x5c: {  	v20 =	vld [tilespmem:s16+$0xFFFFFFC0];
	v15 =	vmul.f32 v24, v17;
	v17 =	vmul.f32 v25, v18  }
0x5d: {  	s14 =	sadd.s32 $0x80, s7;
	v21 =	vld [tilespmem:s16+$0xFFFFFFD0];
	v18 =	vmul.f32 v10, v8;
	v5 =	vmul.f32 v5, v7  }
0x5e: {  	v22 =	vld [tilespmem:s14+$0xFFFFFFE0];
	v14 =	vmul.f32 v27, v14;
	v15 =	vadd.f32 v15, v19;
	v11 =	vadd.f32 v17, v11  }
0x5f: {  	v23 =	vld [tilespmem:s14+$0xFFFFFFF0];
	v17 =	vmul.f32 v13, v26  }
0x60: {  	v9 =	vld [tilespmem:s14+$0x20];
	v5 =	vadd.f32 v5, v15;
	v14 =	vadd.f32 v14, v11;
	v15 =	vmul.f32 v16, v18  }
0x61: {  	v12 =	vld [tilespmem:s16+$0x20]  }
0x62: {  	v7 =	vld [tilespmem:s14+$0x30];
	v5 =	vadd.f32 v17, v5;
	v16 =	vadd.f32 v15, v14  }
0x63: {  	v10 =	vld [tilespmem:s16+$0x30]  }
0x64: {  	v8 =	vld [tilespmem:s11+$0xFFFFFFC0];
	v5 =	vadd.f32 v16, v5  }
0x65: {  	v24 =	vld [tilespmem:s16+$0xFFFFFFE0]  }
0x66: {  	v19 =	vld [tilespmem:s14+$0xFFFFFFD0];
	v17 =	vperm.xlane v5, v0  }
0x67: {  	v13 =	vld [tilespmem:s14+$0x0]  }
0x68: {  	v18 =	vld [tilespmem:s14+$0xFFFFFFC0];
	v17 =	vadd.f32 v5, v17  }
0x69: {  	v15 =	vld [tilespmem:s16+$0x0]  }
0x6a: {  	v14 =	vld [tilespmem:s14+$0x10];
	v25 =	vperm.xlane v17, v1  }
0x6b: {  	v16 =	vld [tilespmem:s16+$0x10]  }
0x6c: {  	s12 =	sshll.u32 s10, $0x4;
	v11 =	vld [tilespmem:s11+$0xFFFFFFD0];
	v17 =	vadd.f32 v17, v25  }
0x6d: {  	s15 =	simm.s32 $0x0;
	s13 =	simm.s32 $0x1;
	s17 =	simm.s32 $0x2;
	v5 =	vimm.f32 $0.0e+00;
	v25 =	vld [tilespmem:s16+$0xFFFFFFF0]  }
.LBB2_3:
0x6e: {  	p1 =	sne.s32 s17, $0xF;
	v26 =	vld [tilespmem:s11+$0xFFFFFFE0];
	v27 =	vmul.f32 v12, v9;
	v9 =	vperm.xlane v17, v2  }
0x6f: {  	v13 =	vmul.f32 v15, v13;
	v15 =	vmul.f32 v10, v7;
	v12 =	vld [tilespmem:s11+$0xFFFFFFF0]  }
0x70: {  	v7 =	vmul.f32 v20, v18;
	v10 =	vmul.f32 v16, v14;
	v14 =	vld [tilespmem:s11+$0x10];
	v16 =	vadd.f32 v17, v9  }
0x71: {  	v9 =	vmul.f32 v21, v19;
	v17 =	vmul.f32 v24, v22;
	v18 =	vld [tilespmem:s11+$0x20]  }
0x72: {  	v19 =	vmul.f32 v25, v23;
	v20 =	vld [tilespmem:s11+$0x30];
	s11 =	sadd.s32 $0x80, s11;
	v21 =	vperm.xlane v16, v3  }
0x73: {  	s14 =	sadd.s32 $0x80, s14;
	v8 =	vmul.f32 v8, v7;
	v7 =	vmov s15;
	s15 =	smov.u32 s13;
	s13 =	smov.u32 s17;
	v11 =	vmul.f32 v11, v9;
	v22 =	vld [tilespmem:s11+$0x0]  }
0x74: {  	s16 =	sadd.s32 $0x80, s16;
	v17 =	vmul.f32 v26, v17;
	v9 =	vld [tilespmem:s14+$0x20];
	v19 =	vmul.f32 v12, v19;
	v16 =	vadd.f32 v16, v21  }
0x75: {  	vm0 =	veq.s32 v7, v4;
	v21 =	vmul.f32 v6, v13;
	v12 =	vld [tilespmem:s16+$0x20];
	v13 =	vmul.f32 v14, v10  }
0x76: {  	v14 =	vadd.f32 v17, v8;
	v7 =	vld [tilespmem:s14+$0x30];
	v11 =	vadd.f32 v19, v11;
	v5 =	vsel vm0, v16, v5  }
0x77: {  	v16 =	vmul.f32 v18, v27;
	v10 =	vld [tilespmem:s16+$0x30]  }
0x78: {  	v14 =	vadd.f32 v21, v14;
	v15 =	vmul.f32 v20, v15;
	v8 =	vld [tilespmem:s11+$0xFFFFFFC0];
	v17 =	vadd.f32 v13, v11;
	v6 =	vmovc v22  }
0x79: {  	v11 =	vld [tilespmem:s11+$0xFFFFFFD0]  }
0x7a: {  	v16 =	vadd.f32 v16, v14;
	v13 =	vld [tilespmem:s14+$0x0];
	v17 =	vadd.f32 v15, v17  }
0x7b: {  	v15 =	vld [tilespmem:s16+$0x0]  }
0x7c: {  	v14 =	vld [tilespmem:s14+$0x10];
	v17 =	vadd.f32 v17, v16  }
0x7d: {  	v16 =	vld [tilespmem:s16+$0x10]  }
0x7e: {  	v18 =	vld [tilespmem:s14+$0xFFFFFFC0];
	v21 =	vperm.xlane v17, v0  }
0x7f: {  	v20 =	vld [tilespmem:s16+$0xFFFFFFC0]  }
0x80: {  	v19 =	vld [tilespmem:s14+$0xFFFFFFD0];
	v17 =	vadd.f32 v17, v21  }
.Ltmp0:
0x81: {  	v21 =	vld [tilespmem:s16+$0xFFFFFFD0];
	(pc) =	sbr.rel @p1 .LBB2_3-.Ltmp0, $4  }
0x82: {  	v22 =	vld [tilespmem:s14+$0xFFFFFFE0];
	v25 =	vperm.xlane v17, v1  }
0x83: {  	v24 =	vld [tilespmem:s16+$0xFFFFFFE0]  }
0x84: {  	v23 =	vld [tilespmem:s14+$0xFFFFFFF0];
	v17 =	vadd.f32 v17, v25  }
0x85: {  	s17 =	sadd.s32 $0x1, s17;
	v25 =	vld [tilespmem:s16+$0xFFFFFFF0]  }
0x86: {  	v26 =	vld [tilespmem:s11+$0xFFFFFFE0]  }
0x87: {  	v9 =	vmul.f32 v12, v9;
	v48 =	vld [tilespmem:s11+$0xFFFFFFF0]  }
0x88: {  	v13 =	vmul.f32 v15, v13;
	v49 =	vmul.f32 v20, v18  }
0x89: {  	v14 =	vmul.f32 v16, v14;
	v50 =	vld [tilespmem:s11+$0x10];
	v51 =	vmul.f32 v21, v19  }
0x8a: {  	v53 =	vld [tilespmem:s11+$0x20];
	v52 =	vmul.f32 v24, v22;
	v54 =	vmul.f32 v25, v23  }
0x8b: {  	v55 =	vld [tilespmem:s11+$0x30];
	v8 =	vmul.f32 v8, v49;
	v11 =	vmul.f32 v11, v51  }
0x8c: {  	v56 =	vmul.f32 v26, v52;
	v12 =	vmul.f32 v48, v54  }
0x8d: {  	v7 =	vmul.f32 v10, v7;
	v6 =	vmul.f32 v6, v13  }
0x8e: {  	v57 =	vmul.f32 v50, v14;
	v8 =	vadd.f32 v56, v8;
	v11 =	vadd.f32 v12, v11  }
0x8f: {  	v9 =	vmul.f32 v53, v9  }
0x90: {  	v7 =	vmul.f32 v55, v7;
	v6 =	vadd.f32 v6, v8;
	v58 =	vadd.f32 v57, v11;
	_ =	sdelay $0x1  }
0x91: {  	v6 =	vadd.f32 v9, v6;
	v7 =	vadd.f32 v7, v58;
	_ =	sdelay $0x1  }
0x92: {  	v6 =	vadd.f32 v7, v6;
	_ =	sdelay $0x1  }
0x93: {  	v7 =	vperm.xlane v6, v0;
	_ =	sdelay $0x1  }
0x94: {  	v6 =	vadd.f32 v6, v7;
	_ =	sdelay $0x1  }
0x95: {  	v7 =	vperm.xlane v6, v1;
	_ =	sdelay $0x1  }
0x96: {  	v6 =	vadd.f32 v6, v7  }
0x97: {  	v7 =	vperm.xlane v17, v2  }
0x98: {  	v59 =	vperm.xlane v6, v2  }
0x99: {  	v7 =	vadd.f32 v17, v7  }
0x9a: {  	v6 =	vadd.f32 v6, v59  }
0x9b: {  	s10 =	sadd.s32 $0x1, s10;
	v60 =	vperm.xlane v7, v3  }
0x9c: {  	p1 =	sne.s32 s10, $0x8;
	v61 =	vperm.xlane v6, v3  }
.Ltmp1:
0x9d: {  	v62 =	vmov s15;
	v7 =	vadd.f32 v7, v60;
	(pc) =	sbr.rel @p1 .LBB2_2-.Ltmp1, $4  }
0x9e: {  	v63 =	vmov s13;
	vm0 =	veq.s32 v62, v4;
	v6 =	vadd.f32 v6, v61  }
0x9f: {  	vm15 =	veq.s32 v63, v4;
	v5 =	vsel vm0, v7, v5  }
0xa0: {  	v5 =	vsel vm15, v6, v5  }
0xa1: {  	s7 =	sadd.s32 $0x800, s7;
	s8 =	sadd.s32 $0x800, s8;
	s9 =	sadd.s32 $0x800, s9;
	[tilespmem:s12+$0x18200] =	vst v5  }
0xa2: {  	s7 =	simm.s32 $0x0;
	s8 =	rddreg [dreg:$0xe]  }
0xa3: {  	[hbm4b:s8+s7] =	stream.linear.scatter [tilespmem:s21], [sflag:$0x7], $0x80, $0x38;
	[tilespmem:$0x1A240] =	vst v63  }
0xa4: {  	_ =	swait.ge [sflag:s22], $0x80  }
0xa5: {  	[sflag:s22] =	ssyncset.done $0x0  }
0xa6: {  	s9 =	simm.s32 $0x100;
	s8 =	simm.s32 $0x200;
	[sflag:s22] =	ssyncadd.s32 $0xFFFFFF80  }
0xa7: {  	[tilespmem:s8], [sflag:$0x1] =	stream.indirect.gather [spmem:s2], $0x80, s9, s25, $0xb8;
	[tilespmem:$0x1A240] =	vst v63  }
0xa8: {  	s10 =	rddreg [dreg:$0xf];
	s9 =	simm.s32 $0x8200  }
0xa9: {  	[tilespmem:s9], [sflag:$0x2] =	stream.linear.gather [hbm4b:s10+s7], $0x4000, $0x38;
	[tilespmem:$0x1A240] =	vst v63  }
0xaa: {  	s11 =	rddreg [dreg:$0x10];
	s10 =	simm.s32 $0x10200  }
0xab: {  	[tilespmem:s10], [sflag:$0x3] =	stream.linear.gather [hbm4b:s11+s7], $0x4000, $0x38;
	[tilespmem:$0x1A240] =	vst v63  }
0xac: {  	_ =	swait.ge [sflag:s26], $0x4000  }
0xad: {  	[sflag:s26] =	ssyncset.done $0x0  }
0xae: {  	[sflag:s26] =	ssyncadd.s32 $0xFFFFC000  }
0xaf: {  	_ =	swait.ge [sflag:s1], $0x4000  }
0xb0: {  	[sflag:s1] =	ssyncset.done $0x0  }
0xb1: {  	[sflag:s1] =	ssyncadd.s32 $0xFFFFC000  }
0xb2: {  	_ =	swait.ge [sflag:s4], $0x4000  }
0xb3: {  	[sflag:s4] =	ssyncset.done $0x0  }
0xb4: {  	s11 =	simm.s32 $0x0;
	[sflag:s4] =	ssyncadd.s32 $0xFFFFC000  }
.LBB2_6:
0xb5: {  	v5 =	vmov s10  }
0xb6: {  	v7 =	vmov s9  }
0xb7: {  	v6 =	vmov s8;
	_ =	sdelay $0x1  }
0xb8: {  	s12 =	simm.s32 $0x0  }
0xb9: {  	v8 =	vld.idx.msk [tilespmem:v5+s12+$0x4040 ss:$0x1], $0xffff  }
0xba: {  	v9 =	vld.idx.msk [tilespmem:v7+s12+$0x4060 ss:$0x1], $0xffff  }
0xbb: {  	v10 =	vld.idx.msk [tilespmem:v6+s12+$0x4060 ss:$0x1], $0xffff  }
0xbc: {  	v11 =	vld.idx.msk [tilespmem:v7+s12+$0x4070 ss:$0x1], $0xffff  }
0xbd: {  	v12 =	vld.idx.msk [tilespmem:v6+s12+$0x4070 ss:$0x1], $0xffff  }
0xbe: {  	v13 =	vld.idx.msk [tilespmem:v5+s12+$0x4000 ss:$0x1], $0xffff  }
0xbf: {  	v14 =	vld.idx.msk [tilespmem:v5+s12+$0x4010 ss:$0x1], $0xffff  }
0xc0: {  	v15 =	vld.idx.msk [tilespmem:v7+s12+$0x4040 ss:$0x1], $0xffff  }
0xc1: {  	v16 =	vld.idx.msk [tilespmem:v6+s12+$0x4040 ss:$0x1], $0xffff  }
0xc2: {  	v17 =	vld.idx.msk [tilespmem:v7+s12+$0x4050 ss:$0x1], $0xffff  }
0xc3: {  	v18 =	vld.idx.msk [tilespmem:v6+s12+$0x4050 ss:$0x1], $0xffff  }
0xc4: {  	v19 =	vld.idx.msk [tilespmem:v7+s12+$0x4000 ss:$0x1], $0xffff  }
0xc5: {  	v20 =	vld.idx.msk [tilespmem:v6+s12+$0x4000 ss:$0x1], $0xffff  }
0xc6: {  	v21 =	vld.idx.msk [tilespmem:v7+s12+$0x4010 ss:$0x1], $0xffff  }
0xc7: {  	v22 =	vld.idx.msk [tilespmem:v6+s12+$0x4010 ss:$0x1], $0xffff  }
0xc8: {  	v23 =	vld.idx.msk [tilespmem:v7+s12+$0x4020 ss:$0x1], $0xffff  }
0xc9: {  	v24 =	vld.idx.msk [tilespmem:v6+s12+$0x4020 ss:$0x1], $0xffff  }
0xca: {  	v25 =	vld.idx.msk [tilespmem:v7+s12+$0x4030 ss:$0x1], $0xffff  }
0xcb: {  	v26 =	vld.idx.msk [tilespmem:v6+s12+$0x4030 ss:$0x1], $0xffff  }
0xcc: {  	v27 =	vld.idx.msk [tilespmem:v5+s12+$0x4020 ss:$0x1], $0xffff  }
0xcd: {  	v28 =	vld.idx.msk [tilespmem:v5+s12+$0x4030 ss:$0x1], $0xffff  }
0xce: {  	v29 =	vld.idx.msk [tilespmem:v5+s12+$0x4050 ss:$0x1], $0xffff  }
0xcf: {  	v30 =	vld.idx.msk [tilespmem:v5+s12+$0x4060 ss:$0x1], $0xffff  }
0xd0: {  	s13 =	simm.s32 $0x80;
	v31 =	vld.idx.msk [tilespmem:v5+s12+$0x4070 ss:$0x1], $0xffff  }
0xd1: {  	v32 =	vld.idx.msk [tilespmem:v5+s13+$0x4040 ss:$0x1], $0xffff  }
0xd2: {  	v33 =	vld.idx.msk [tilespmem:v7+s13+$0x4060 ss:$0x1], $0xffff  }
0xd3: {  	v34 =	vld.idx.msk [tilespmem:v6+s13+$0x4060 ss:$0x1], $0xffff  }
0xd4: {  	v35 =	vld.idx.msk [tilespmem:v7+s13+$0x4070 ss:$0x1], $0xffff  }
0xd5: {  	v36 =	vld.idx.msk [tilespmem:v6+s13+$0x4070 ss:$0x1], $0xffff  }
0xd6: {  	v9 =	vmul.f32 v10, v9;
	v10 =	vmul.f32 v16, v15;
	v16 =	vld.idx.msk [tilespmem:v5+s13+$0x4000 ss:$0x1], $0xffff  }
0xd7: {  	v15 =	vmul.f32 v20, v19;
	v19 =	vld.idx.msk [tilespmem:v5+s13+$0x4010 ss:$0x1], $0xffff  }
0xd8: {  	v17 =	vmul.f32 v18, v17;
	v18 =	vmul.f32 v22, v21;
	v22 =	vld.idx.msk [tilespmem:v7+s13+$0x4040 ss:$0x1], $0xffff  }
0xd9: {  	v20 =	vmul.f32 v24, v23;
	v21 =	vmul.f32 v26, v25;
	v23 =	vld.idx.msk [tilespmem:v6+s13+$0x4030 ss:$0x1], $0xffff  }
0xda: {  	v13 =	vmul.f32 v13, v15;
	v14 =	vmul.f32 v14, v18;
	v15 =	vld.idx.msk [tilespmem:v6+s13+$0x4040 ss:$0x1], $0xffff  }
0xdb: {  	v18 =	vmul.f32 v27, v20;
	v20 =	vmul.f32 v28, v21;
	v21 =	vld.idx.msk [tilespmem:v7+s13+$0x4050 ss:$0x1], $0xffff  }
0xdc: {  	v8 =	vmul.f32 v8, v10;
	v10 =	vld.idx.msk [tilespmem:v6+s13+$0x4050 ss:$0x1], $0xffff  }
0xdd: {  	v11 =	vmul.f32 v12, v11;
	v12 =	vmul.f32 v29, v17;
	v17 =	vld.idx.msk [tilespmem:v7+s13+$0x4000 ss:$0x1], $0xffff  }
0xde: {  	v28 =	vld.idx.msk [tilespmem:v5+s13+$0x4060 ss:$0x1], $0xffff  }
0xdf: {  	v13 =	vadd.f32 v18, v13;
	v14 =	vadd.f32 v20, v14;
	v18 =	vld.idx.msk [tilespmem:v6+s13+$0x4000 ss:$0x1], $0xffff  }
0xe0: {  	v9 =	vmul.f32 v30, v9;
	v20 =	vld.idx.msk [tilespmem:v7+s13+$0x4030 ss:$0x1], $0xffff  }
0xe1: {  	v11 =	vmul.f32 v31, v11;
	v8 =	vadd.f32 v8, v13;
	v12 =	vadd.f32 v12, v14;
	v13 =	vld.idx.msk [tilespmem:v7+s13+$0x4010 ss:$0x1], $0xffff  }
0xe2: {  	v14 =	vld.idx.msk [tilespmem:v6+s13+$0x4010 ss:$0x1], $0xffff  }
0xe3: {  	v8 =	vadd.f32 v9, v8;
	v9 =	vadd.f32 v11, v12;
	v11 =	vld.idx.msk [tilespmem:v7+s13+$0x4020 ss:$0x1], $0xffff  }
0xe4: {  	v12 =	vld.idx.msk [tilespmem:v6+s13+$0x4020 ss:$0x1], $0xffff  }
0xe5: {  	v25 =	vld.idx.msk [tilespmem:v5+s13+$0x4030 ss:$0x1], $0xffff;
	v27 =	vmul.f32 v34, v33;
	v22 =	vmul.f32 v15, v22  }
0xe6: {  	v24 =	vld.idx.msk [tilespmem:v5+s13+$0x4020 ss:$0x1], $0xffff;
	v15 =	vmul.f32 v18, v17;
	v18 =	vmul.f32 v10, v21  }
0xe7: {  	v26 =	vld.idx.msk [tilespmem:v5+s13+$0x4050 ss:$0x1], $0xffff;
	v21 =	vmul.f32 v32, v22;
	v22 =	vmul.f32 v28, v27;
	v8 =	vadd.f32 v9, v8  }
0xe8: {  	s12 =	simm.s32 $0x100;
	v17 =	vld.idx.msk [tilespmem:v5+s13+$0x4070 ss:$0x1], $0xffff;
	v10 =	vmul.f32 v14, v13;
	v13 =	vmul.f32 v23, v20  }
0xe9: {  	v27 =	vmov s7;
	v28 =	vld.idx.msk [tilespmem:v7+s12+$0x4030 ss:$0x1], $0xffff;
	v9 =	vperm.xlane v8, v0;
	v11 =	vmul.f32 v12, v11  }
0xea: {  	vm0 =	veq.s32 v27, v4;
	v27 =	vld.idx.msk [tilespmem:v6+s12+$0x4020 ss:$0x1], $0xffff;
	v19 =	vmul.f32 v19, v10;
	v13 =	vmul.f32 v25, v13  }
0xeb: {  	v16 =	vmul.f32 v16, v15;
	v15 =	vld.idx.msk [tilespmem:v6+s12+$0x4060 ss:$0x1], $0xffff;
	v8 =	vadd.f32 v8, v9;
	v11 =	vmul.f32 v24, v11  }
0xec: {  	v14 =	vld.idx.msk [tilespmem:v6+s12+$0x4070 ss:$0x1], $0xffff;
	v18 =	vmul.f32 v26, v18;
	v19 =	vadd.f32 v13, v19  }
0xed: {  	v20 =	vmul.f32 v36, v35;
	v23 =	vld.idx.msk [tilespmem:v6+s12+$0x4000 ss:$0x1], $0xffff;
	v29 =	vperm.xlane v8, v1;
	v16 =	vadd.f32 v11, v16  }
0xee: {  	v12 =	vld.idx.msk [tilespmem:v7+s12+$0x4060 ss:$0x1], $0xffff;
	v18 =	vadd.f32 v18, v19  }
0xef: {  	v10 =	vld.idx.msk [tilespmem:v7+s12+$0x4070 ss:$0x1], $0xffff;
	v19 =	vmul.f32 v17, v20;
	v8 =	vadd.f32 v8, v29;
	v21 =	vadd.f32 v21, v16  }
0xf0: {  	v9 =	vld.idx.msk [tilespmem:v5+s12+$0x4040 ss:$0x1], $0xffff  }
0xf1: {  	v13 =	vld.idx.msk [tilespmem:v5+s12+$0x4010 ss:$0x1], $0xffff;
	v20 =	vperm.xlane v8, v2;
	v21 =	vadd.f32 v22, v21;
	v22 =	vadd.f32 v19, v18  }
0xf2: {  	v24 =	vld.idx.msk [tilespmem:v6+s12+$0x4010 ss:$0x1], $0xffff  }
0xf3: {  	v11 =	vld.idx.msk [tilespmem:v5+s12+$0x4000 ss:$0x1], $0xffff;
	v8 =	vadd.f32 v8, v20;
	v21 =	vadd.f32 v22, v21  }
0xf4: {  	v17 =	vld.idx.msk [tilespmem:v6+s12+$0x4040 ss:$0x1], $0xffff  }
0xf5: {  	v16 =	vld.idx.msk [tilespmem:v7+s12+$0x4040 ss:$0x1], $0xffff;
	v25 =	vperm.xlane v8, v3;
	v26 =	vperm.xlane v21, v0  }
0xf6: {  	v18 =	vld.idx.msk [tilespmem:v7+s12+$0x4050 ss:$0x1], $0xffff  }
0xf7: {  	v19 =	vld.idx.msk [tilespmem:v6+s12+$0x4050 ss:$0x1], $0xffff;
	v8 =	vadd.f32 v8, v25;
	v21 =	vadd.f32 v21, v26  }
0xf8: {  	v20 =	vld.idx.msk [tilespmem:v7+s12+$0x4000 ss:$0x1], $0xffff;
	v26 =	vimm.f32 $0.0e+00  }
0xf9: {  	v22 =	vld.idx.msk [tilespmem:v7+s12+$0x4010 ss:$0x1], $0xffff;
	v8 =	vsel vm0, v8, v26;
	v26 =	vperm.xlane v21, v1  }
0xfa: {  	s15 =	simm.s32 $0x600;
	s14 =	simm.s32 $0x0;
	s13 =	sshll.u32 s11, $0x4;
	v25 =	vld.idx.msk [tilespmem:v7+s12+$0x4020 ss:$0x1], $0xffff  }
.LBB2_7:
0xfb: {  	p1 =	sne.s32 s15, $0x1E00;
	v29 =	vld.idx.msk [tilespmem:v6+s12+$0x4030 ss:$0x1], $0xffff;
	v21 =	vadd.f32 v21, v26  }
0xfc: {  	v26 =	vld.idx.msk [tilespmem:v5+s12+$0x4020 ss:$0x1], $0xffff  }
0xfd: {  	v31 =	vmul.f32 v15, v12;
	v30 =	vld.idx.msk [tilespmem:v5+s12+$0x4030 ss:$0x1], $0xffff;
	v12 =	vperm.xlane v21, v2  }
0xfe: {  	v16 =	vmul.f32 v17, v16;
	v32 =	vmul.f32 v14, v10;
	v17 =	vld.idx.msk [tilespmem:v5+s12+$0x4050 ss:$0x1], $0xffff  }
0xff: {  	v10 =	vmul.f32 v23, v20;
	v14 =	vmul.f32 v19, v18;
	v18 =	vld.idx.msk [tilespmem:v5+s12+$0x4060 ss:$0x1], $0xffff;
	v19 =	vadd.f32 v21, v12  }
0x100: {  	v15 =	vmul.f32 v24, v22;
	v20 =	vmul.f32 v27, v25;
	v21 =	vld.idx.msk [tilespmem:v5+s12+$0x4070 ss:$0x1], $0xffff;
	s12 =	sshra.s32 s15, $0x2  }
0x101: {  	s14 =	sadd.s32 $0x1, s14;
	v23 =	vmul.f32 v29, v28;
	v22 =	vld.idx.msk [tilespmem:v5+s12+$0x4040 ss:$0x1], $0xffff;
	v24 =	vperm.xlane v19, v3  }
0x102: {  	v11 =	vmul.f32 v11, v10;
	v13 =	vmul.f32 v13, v15;
	v25 =	vmov s14;
	v12 =	vld.idx.msk [tilespmem:v7+s12+$0x4060 ss:$0x1], $0xffff  }
0x103: {  	v20 =	vmul.f32 v26, v20;
	v23 =	vmul.f32 v30, v23;
	v15 =	vld.idx.msk [tilespmem:v6+s12+$0x4060 ss:$0x1], $0xffff;
	v19 =	vadd.f32 v19, v24  }
0x104: {  	v9 =	vmul.f32 v9, v16;
	vm0 =	veq.s32 v25, v4;
	v16 =	vmul.f32 v17, v14;
	v10 =	vld.idx.msk [tilespmem:v7+s12+$0x4070 ss:$0x1], $0xffff  }
0x105: {  	v17 =	vadd.f32 v20, v11;
	v20 =	vadd.f32 v23, v13;
	v14 =	vld.idx.msk [tilespmem:v6+s12+$0x4070 ss:$0x1], $0xffff;
	v8 =	vsel vm0, v19, v8  }
0x106: {  	v18 =	vmul.f32 v18, v31;
	v11 =	vld.idx.msk [tilespmem:v5+s12+$0x4000 ss:$0x1], $0xffff  }
0x107: {  	v19 =	vadd.f32 v9, v17;
	v21 =	vmul.f32 v21, v32;
	v20 =	vadd.f32 v16, v20;
	v13 =	vld.idx.msk [tilespmem:v5+s12+$0x4010 ss:$0x1], $0xffff  }
0x108: {  	v9 =	vmov v22;
	v16 =	vld.idx.msk [tilespmem:v7+s12+$0x4040 ss:$0x1], $0xffff  }
0x109: {  	v22 =	vadd.f32 v18, v19;
	v20 =	vadd.f32 v21, v20;
	v17 =	vld.idx.msk [tilespmem:v6+s12+$0x4040 ss:$0x1], $0xffff  }
0x10a: {  	v18 =	vld.idx.msk [tilespmem:v7+s12+$0x4050 ss:$0x1], $0xffff  }
0x10b: {  	v21 =	vadd.f32 v20, v22;
	v19 =	vld.idx.msk [tilespmem:v6+s12+$0x4050 ss:$0x1], $0xffff  }
0x10c: {  	v20 =	vld.idx.msk [tilespmem:v7+s12+$0x4000 ss:$0x1], $0xffff  }
0x10d: {  	v25 =	vperm.xlane v21, v0;
	v23 =	vld.idx.msk [tilespmem:v6+s12+$0x4000 ss:$0x1], $0xffff  }
.Ltmp2:
0x10e: {  	v22 =	vld.idx.msk [tilespmem:v7+s12+$0x4010 ss:$0x1], $0xffff;
	(pc) =	sbr.rel @p1 .LBB2_7-.Ltmp2, $4  }
0x10f: {  	v21 =	vadd.f32 v21, v25;
	v24 =	vld.idx.msk [tilespmem:v6+s12+$0x4010 ss:$0x1], $0xffff  }
0x110: {  	v25 =	vld.idx.msk [tilespmem:v7+s12+$0x4020 ss:$0x1], $0xffff  }
0x111: {  	v26 =	vperm.xlane v21, v1;
	v27 =	vld.idx.msk [tilespmem:v6+s12+$0x4020 ss:$0x1], $0xffff  }
0x112: {  	s15 =	sadd.s32 $0x200, s15;
	v28 =	vld.idx.msk [tilespmem:v7+s12+$0x4030 ss:$0x1], $0xffff  }
0x113: {  	_ =	sdelay $0x3  }
0x114: {  	v6 =	vld.idx.msk [tilespmem:v6+s12+$0x4030 ss:$0x1], $0xffff  }
0x115: {  	v7 =	vld.idx.msk [tilespmem:v5+s12+$0x4020 ss:$0x1], $0xffff  }
0x116: {  	v12 =	vmul.f32 v15, v12;
	v54 =	vld.idx.msk [tilespmem:v5+s12+$0x4030 ss:$0x1], $0xffff  }
0x117: {  	v16 =	vmul.f32 v17, v16;
	v55 =	vmul.f32 v23, v20  }
0x118: {  	v56 =	vld.idx.msk [tilespmem:v5+s12+$0x4050 ss:$0x1], $0xffff;
	v18 =	vmul.f32 v19, v18;
	v57 =	vmul.f32 v24, v22  }
0x119: {  	v58 =	vld.idx.msk [tilespmem:v5+s12+$0x4060 ss:$0x1], $0xffff;
	v59 =	vmul.f32 v27, v25;
	v6 =	vmul.f32 v6, v28  }
0x11a: {  	v5 =	vld.idx.msk [tilespmem:v5+s12+$0x4070 ss:$0x1], $0xffff;
	v11 =	vmul.f32 v11, v55;
	v13 =	vmul.f32 v13, v57  }
0x11b: {  	v7 =	vmul.f32 v7, v59;
	v6 =	vmul.f32 v54, v6  }
0x11c: {  	v10 =	vmul.f32 v14, v10;
	v9 =	vmul.f32 v9, v16  }
0x11d: {  	v60 =	vmul.f32 v56, v18;
	v7 =	vadd.f32 v7, v11;
	v6 =	vadd.f32 v6, v13  }
0x11e: {  	v61 =	vmul.f32 v58, v12  }
0x11f: {  	v5 =	vmul.f32 v5, v10;
	v7 =	vadd.f32 v9, v7;
	v6 =	vadd.f32 v60, v6;
	_ =	sdelay $0x1  }
0x120: {  	v7 =	vadd.f32 v61, v7;
	v5 =	vadd.f32 v5, v6;
	_ =	sdelay $0x1  }
0x121: {  	v5 =	vadd.f32 v5, v7;
	_ =	sdelay $0x1  }
0x122: {  	v6 =	vperm.xlane v5, v0;
	_ =	sdelay $0x1  }
0x123: {  	v5 =	vadd.f32 v5, v6;
	_ =	sdelay $0x1  }
0x124: {  	v6 =	vperm.xlane v5, v1  }
0x125: {  	v7 =	vadd.f32 v21, v26  }
0x126: {  	v5 =	vadd.f32 v5, v6  }
0x127: {  	v6 =	vperm.xlane v7, v2  }
0x128: {  	v62 =	vperm.xlane v5, v2  }
0x129: {  	v6 =	vadd.f32 v7, v6  }
0x12a: {  	v5 =	vadd.f32 v5, v62  }
0x12b: {  	s11 =	sadd.s32 $0x1, s11;
	v7 =	vperm.xlane v6, v3  }
0x12c: {  	s17 =	sadd.s32 $0x1, s14;
	p1 =	sne.s32 s11, $0x8;
	v9 =	vperm.xlane v5, v3  }
.Ltmp3:
0x12d: {  	v63 =	vmov s17;
	s12 =	sadd.s32 $0x1, s17;
	v6 =	vadd.f32 v6, v7;
	(pc) =	sbr.rel @p1 .LBB2_6-.Ltmp3, $4  }
0x12e: {  	vm0 =	veq.s32 v63, v4;
	v7 =	vmov s12;
	v5 =	vadd.f32 v5, v9  }
0x12f: {  	vm15 =	veq.s32 v7, v4;
	v6 =	vsel vm0, v6, v8  }
0x130: {  	v5 =	vsel vm15, v5, v6  }
0x131: {  	s9 =	sadd.s32 $0x800, s9;
	s8 =	sadd.s32 $0x800, s8;
	s10 =	sadd.s32 $0x800, s10;
	[tilespmem:s13+$0x18280] =	vst v5  }
0x132: {  	s7 =	simm.s32 $0x0;
	s8 =	rddreg [dreg:$0x11]  }
0x133: {  	[hbm4b:s8+s7] =	stream.linear.scatter [tilespmem:s5], [sflag:$0x7], $0x80, $0x38;
	[tilespmem:$0x1A240] =	vst v63  }
0x134: {  	_ =	swait.ge [sflag:s22], $0x80  }
0x135: {  	[sflag:s22] =	ssyncset.done $0x0  }
0x136: {  	s15 =	simm.s32 $0x180;
	[sflag:s22] =	ssyncadd.s32 $0xFFFFFF80  }
0x137: {  	[tilespmem:s28], [sflag:$0x4] =	stream.indirect.gather [spmem:s2], $0x80, s15, s25, $0xb8;
	[tilespmem:$0x1A240] =	vst v63  }
0x138: {  	s16 =	rddreg [dreg:$0x12]  }
0x139: {  	[tilespmem:s29], [sflag:$0x5] =	stream.linear.gather [hbm4b:s16+s7], $0x4000, $0x38;
	[tilespmem:$0x1A240] =	vst v63  }
0x13a: {  	s17 =	rddreg [dreg:$0x13]  }
0x13b: {  	[tilespmem:s30], [sflag:$0x6] =	stream.linear.gather [hbm4b:s17+s7], $0x4000, $0x38;
	[tilespmem:$0x1A240] =	vst v63  }
0x13c: {  	_ =	swait.ge [sflag:s31], $0x4000  }
0x13d: {  	[sflag:s31] =	ssyncset.done $0x0  }
0x13e: {  	[sflag:s31] =	ssyncadd.s32 $0xFFFFC000  }
0x13f: {  	_ =	swait.ge [sflag:s0], $0x4000  }
0x140: {  	[sflag:s0] =	ssyncset.done $0x0  }
0x141: {  	[sflag:s0] =	ssyncadd.s32 $0xFFFFC000  }
0x142: {  	_ =	swait.ge [sflag:s20], $0x4000  }
0x143: {  	s9 =	simm.s32 $0x240;
	[sflag:s20] =	ssyncset.done $0x0  }
0x144: {  	s10 =	simm.s32 $0x10240;
	s8 =	simm.s32 $0x8240;
	[sflag:s20] =	ssyncadd.s32 $0xFFFFC000  }
.LBB2_10:
0x145: {  	v5 =	vld [tilespmem:s10+$0x0]  }
0x146: {  	v6 =	vld [tilespmem:s8+$0x20]  }
0x147: {  	v7 =	vld [tilespmem:s9+$0x20]  }
0x148: {  	v8 =	vld [tilespmem:s8+$0x30]  }
0x149: {  	v10 =	vld [tilespmem:s9+$0x30]  }
0x14a: {  	v9 =	vld [tilespmem:s10+$0xFFFFFFC0]  }
0x14b: {  	v11 =	vld [tilespmem:s10+$0xFFFFFFD0]  }
0x14c: {  	v12 =	vld [tilespmem:s8+$0x0]  }
0x14d: {  	v13 =	vld [tilespmem:s9+$0x0]  }
0x14e: {  	v14 =	vld [tilespmem:s8+$0x10]  }
0x14f: {  	v15 =	vld [tilespmem:s9+$0x10]  }
0x150: {  	v16 =	vld [tilespmem:s8+$0xFFFFFFC0]  }
0x151: {  	v17 =	vld [tilespmem:s9+$0xFFFFFFC0]  }
0x152: {  	v18 =	vld [tilespmem:s8+$0xFFFFFFD0]  }
0x153: {  	v19 =	vld [tilespmem:s9+$0xFFFFFFD0]  }
0x154: {  	v20 =	vld [tilespmem:s8+$0xFFFFFFE0]  }
0x155: {  	v21 =	vld [tilespmem:s9+$0xFFFFFFE0]  }
0x156: {  	v22 =	vld [tilespmem:s8+$0xFFFFFFF0]  }
0x157: {  	v23 =	vld [tilespmem:s9+$0xFFFFFFF0]  }
0x158: {  	v24 =	vld [tilespmem:s10+$0xFFFFFFE0]  }
0x159: {  	v25 =	vld [tilespmem:s10+$0xFFFFFFF0];
	v26 =	vmul.f32 v7, v6  }
0x15a: {  	v27 =	vld [tilespmem:s10+$0x10];
	v7 =	vmul.f32 v13, v12;
	v12 =	vmul.f32 v17, v16  }
0x15b: {  	v13 =	vld [tilespmem:s10+$0x20];
	v14 =	vmul.f32 v15, v14;
	v15 =	vmul.f32 v19, v18  }
0x15c: {  	s11 =	sadd.s32 $0x80, s10;
	v16 =	vld [tilespmem:s10+$0x30];
	v17 =	vmul.f32 v21, v20;
	v18 =	vmul.f32 v23, v22  }
0x15d: {  	s15 =	sadd.s32 $0x80, s9;
	v6 =	vld [tilespmem:s11+$0x0];
	v19 =	vmul.f32 v9, v12;
	v11 =	vmul.f32 v11, v15  }
0x15e: {  	v20 =	vld [tilespmem:s15+$0xFFFFFFC0];
	v15 =	vmul.f32 v24, v17;
	v17 =	vmul.f32 v25, v18  }
0x15f: {  	s14 =	sadd.s32 $0x80, s8;
	v21 =	vld [tilespmem:s15+$0xFFFFFFD0];
	v18 =	vmul.f32 v10, v8;
	v5 =	vmul.f32 v5, v7  }
0x160: {  	v22 =	vld [tilespmem:s14+$0xFFFFFFE0];
	v14 =	vmul.f32 v27, v14;
	v15 =	vadd.f32 v15, v19;
	v11 =	vadd.f32 v17, v11  }
0x161: {  	v23 =	vld [tilespmem:s14+$0xFFFFFFF0];
	v17 =	vmul.f32 v13, v26  }
0x162: {  	v9 =	vld [tilespmem:s14+$0x20];
	v5 =	vadd.f32 v5, v15;
	v14 =	vadd.f32 v14, v11;
	v15 =	vmul.f32 v16, v18  }
0x163: {  	v12 =	vld [tilespmem:s15+$0x20]  }
0x164: {  	v7 =	vld [tilespmem:s14+$0x30];
	v5 =	vadd.f32 v17, v5;
	v16 =	vadd.f32 v15, v14  }
0x165: {  	v10 =	vld [tilespmem:s15+$0x30]  }
0x166: {  	v8 =	vld [tilespmem:s11+$0xFFFFFFC0];
	v5 =	vadd.f32 v16, v5  }
0x167: {  	v24 =	vld [tilespmem:s15+$0xFFFFFFE0]  }
0x168: {  	v19 =	vld [tilespmem:s14+$0xFFFFFFD0];
	v17 =	vperm.xlane v5, v0  }
0x169: {  	v13 =	vld [tilespmem:s14+$0x0]  }
0x16a: {  	v18 =	vld [tilespmem:s14+$0xFFFFFFC0];
	v17 =	vadd.f32 v5, v17  }
0x16b: {  	v15 =	vld [tilespmem:s15+$0x0]  }
0x16c: {  	v14 =	vld [tilespmem:s14+$0x10];
	v25 =	vperm.xlane v17, v1  }
0x16d: {  	v16 =	vld [tilespmem:s15+$0x10]  }
0x16e: {  	s12 =	sshll.u32 s7, $0x4;
	v11 =	vld [tilespmem:s11+$0xFFFFFFD0];
	v17 =	vadd.f32 v17, v25  }
0x16f: {  	s13 =	simm.s32 $0x1;
	s17 =	simm.s32 $0x2;
	s16 =	simm.s32 $0x0;
	v5 =	vimm.f32 $0.0e+00;
	v25 =	vld [tilespmem:s15+$0xFFFFFFF0]  }
.LBB2_11:
0x170: {  	p1 =	sne.s32 s17, $0xF;
	v26 =	vld [tilespmem:s11+$0xFFFFFFE0];
	v27 =	vmul.f32 v12, v9;
	v9 =	vperm.xlane v17, v2  }
0x171: {  	v13 =	vmul.f32 v15, v13;
	v15 =	vmul.f32 v10, v7;
	v12 =	vld [tilespmem:s11+$0xFFFFFFF0]  }
0x172: {  	v7 =	vmul.f32 v20, v18;
	v10 =	vmul.f32 v16, v14;
	v14 =	vld [tilespmem:s11+$0x10];
	v16 =	vadd.f32 v17, v9  }
0x173: {  	v9 =	vmul.f32 v21, v19;
	v17 =	vmul.f32 v24, v22;
	v18 =	vld [tilespmem:s11+$0x20]  }
0x174: {  	v19 =	vmul.f32 v25, v23;
	v20 =	vld [tilespmem:s11+$0x30];
	s11 =	sadd.s32 $0x80, s11;
	v21 =	vperm.xlane v16, v3  }
0x175: {  	s14 =	sadd.s32 $0x80, s14;
	v8 =	vmul.f32 v8, v7;
	v7 =	vmov s16;
	s16 =	smov.u32 s13;
	s13 =	smov.u32 s17;
	v11 =	vmul.f32 v11, v9;
	v22 =	vld [tilespmem:s11+$0x0]  }
0x176: {  	s15 =	sadd.s32 $0x80, s15;
	v17 =	vmul.f32 v26, v17;
	v9 =	vld [tilespmem:s14+$0x20];
	v19 =	vmul.f32 v12, v19;
	v16 =	vadd.f32 v16, v21  }
0x177: {  	vm0 =	veq.s32 v7, v4;
	v21 =	vmul.f32 v6, v13;
	v12 =	vld [tilespmem:s15+$0x20];
	v13 =	vmul.f32 v14, v10  }
0x178: {  	v14 =	vadd.f32 v17, v8;
	v7 =	vld [tilespmem:s14+$0x30];
	v11 =	vadd.f32 v19, v11;
	v5 =	vsel vm0, v16, v5  }
0x179: {  	v16 =	vmul.f32 v18, v27;
	v10 =	vld [tilespmem:s15+$0x30]  }
0x17a: {  	v14 =	vadd.f32 v21, v14;
	v15 =	vmul.f32 v20, v15;
	v8 =	vld [tilespmem:s11+$0xFFFFFFC0];
	v17 =	vadd.f32 v13, v11;
	v6 =	vmovc v22  }
0x17b: {  	v11 =	vld [tilespmem:s11+$0xFFFFFFD0]  }
0x17c: {  	v16 =	vadd.f32 v16, v14;
	v13 =	vld [tilespmem:s14+$0x0];
	v17 =	vadd.f32 v15, v17  }
0x17d: {  	v15 =	vld [tilespmem:s15+$0x0]  }
0x17e: {  	v14 =	vld [tilespmem:s14+$0x10];
	v17 =	vadd.f32 v17, v16  }
0x17f: {  	v16 =	vld [tilespmem:s15+$0x10]  }
0x180: {  	v18 =	vld [tilespmem:s14+$0xFFFFFFC0];
	v21 =	vperm.xlane v17, v0  }
0x181: {  	v20 =	vld [tilespmem:s15+$0xFFFFFFC0]  }
0x182: {  	v19 =	vld [tilespmem:s14+$0xFFFFFFD0];
	v17 =	vadd.f32 v17, v21  }
.Ltmp4:
0x183: {  	v21 =	vld [tilespmem:s15+$0xFFFFFFD0];
	(pc) =	sbr.rel @p1 .LBB2_11-.Ltmp4, $4  }
0x184: {  	v22 =	vld [tilespmem:s14+$0xFFFFFFE0];
	v25 =	vperm.xlane v17, v1  }
0x185: {  	v24 =	vld [tilespmem:s15+$0xFFFFFFE0]  }
0x186: {  	v23 =	vld [tilespmem:s14+$0xFFFFFFF0];
	v17 =	vadd.f32 v17, v25  }
0x187: {  	s17 =	sadd.s32 $0x1, s17;
	v25 =	vld [tilespmem:s15+$0xFFFFFFF0]  }
0x188: {  	v26 =	vld [tilespmem:s11+$0xFFFFFFE0]  }
0x189: {  	v9 =	vmul.f32 v12, v9;
	v48 =	vld [tilespmem:s11+$0xFFFFFFF0]  }
0x18a: {  	v13 =	vmul.f32 v15, v13;
	v49 =	vmul.f32 v20, v18  }
0x18b: {  	v14 =	vmul.f32 v16, v14;
	v50 =	vld [tilespmem:s11+$0x10];
	v51 =	vmul.f32 v21, v19  }
0x18c: {  	v53 =	vld [tilespmem:s11+$0x20];
	v52 =	vmul.f32 v24, v22;
	v54 =	vmul.f32 v25, v23  }
0x18d: {  	v55 =	vld [tilespmem:s11+$0x30];
	v8 =	vmul.f32 v8, v49;
	v11 =	vmul.f32 v11, v51  }
0x18e: {  	v56 =	vmul.f32 v26, v52;
	v12 =	vmul.f32 v48, v54  }
0x18f: {  	v7 =	vmul.f32 v10, v7;
	v6 =	vmul.f32 v6, v13  }
0x190: {  	v57 =	vmul.f32 v50, v14;
	v8 =	vadd.f32 v56, v8;
	v11 =	vadd.f32 v12, v11  }
0x191: {  	v9 =	vmul.f32 v53, v9  }
0x192: {  	v7 =	vmul.f32 v55, v7;
	v6 =	vadd.f32 v6, v8;
	v58 =	vadd.f32 v57, v11;
	_ =	sdelay $0x1  }
0x193: {  	v6 =	vadd.f32 v9, v6;
	v7 =	vadd.f32 v7, v58;
	_ =	sdelay $0x1  }
0x194: {  	v6 =	vadd.f32 v7, v6;
	_ =	sdelay $0x1  }
0x195: {  	v7 =	vperm.xlane v6, v0;
	_ =	sdelay $0x1  }
0x196: {  	v6 =	vadd.f32 v6, v7;
	_ =	sdelay $0x1  }
0x197: {  	v7 =	vperm.xlane v6, v1;
	_ =	sdelay $0x1  }
0x198: {  	v6 =	vadd.f32 v6, v7  }
0x199: {  	v7 =	vperm.xlane v17, v2  }
0x19a: {  	v59 =	vperm.xlane v6, v2  }
0x19b: {  	v7 =	vadd.f32 v17, v7  }
0x19c: {  	v6 =	vadd.f32 v6, v59  }
0x19d: {  	s7 =	sadd.s32 $0x1, s7;
	v60 =	vperm.xlane v7, v3  }
0x19e: {  	p1 =	sne.s32 s7, $0x8;
	v61 =	vperm.xlane v6, v3  }
.Ltmp5:
0x19f: {  	v62 =	vmov s16;
	v7 =	vadd.f32 v7, v60;
	(pc) =	sbr.rel @p1 .LBB2_10-.Ltmp5, $4  }
0x1a0: {  	v63 =	vmov s13;
	vm0 =	veq.s32 v62, v4;
	v6 =	vadd.f32 v6, v61  }
0x1a1: {  	vm15 =	veq.s32 v63, v4;
	v5 =	vsel vm0, v7, v5  }
0x1a2: {  	v5 =	vsel vm15, v6, v5  }
0x1a3: {  	s8 =	sadd.s32 $0x800, s8;
	s9 =	sadd.s32 $0x800, s9;
	s10 =	sadd.s32 $0x800, s10;
	[tilespmem:s12+$0x18200] =	vst v5  }
0x1a4: {  	s7 =	simm.s32 $0x0;
	s8 =	rddreg [dreg:$0x14]  }
0x1a5: {  	[hbm4b:s8+s7] =	stream.linear.scatter [tilespmem:s21], [sflag:$0x7], $0x80, $0x38;
	[tilespmem:$0x1A240] =	vst v63  }
0x1a6: {  	_ =	swait.ge [sflag:s22], $0x80  }
0x1a7: {  	[sflag:s22] =	ssyncset.done $0x0  }
0x1a8: {  	[sflag:s22] =	ssyncadd.s32 $0xFFFFFF80  }
0x1a9: {  	_ =	swait.ge [sflag:s26], $0x4000  }
0x1aa: {  	[sflag:s26] =	ssyncset.done $0x0  }
0x1ab: {  	[sflag:s26] =	ssyncadd.s32 $0xFFFFC000  }
0x1ac: {  	_ =	swait.ge [sflag:s1], $0x4000  }
0x1ad: {  	[sflag:s1] =	ssyncset.done $0x0  }
0x1ae: {  	[sflag:s1] =	ssyncadd.s32 $0xFFFFC000  }
0x1af: {  	_ =	swait.ge [sflag:s4], $0x4000  }
0x1b0: {  	s9 =	simm.s32 $0x200;
	s10 =	simm.s32 $0x10200;
	[sflag:s4] =	ssyncset.done $0x0  }
0x1b1: {  	s11 =	simm.s32 $0x0;
	s8 =	simm.s32 $0x8200;
	[sflag:s4] =	ssyncadd.s32 $0xFFFFC000  }
.LBB2_14:
0x1b2: {  	v5 =	vmov s10  }
0x1b3: {  	v7 =	vmov s8  }
0x1b4: {  	v6 =	vmov s9;
	_ =	sdelay $0x1  }
0x1b5: {  	s12 =	simm.s32 $0x0  }
0x1b6: {  	v8 =	vld.idx.msk [tilespmem:v5+s12+$0x4040 ss:$0x1], $0xffff  }
0x1b7: {  	v9 =	vld.idx.msk [tilespmem:v7+s12+$0x4060 ss:$0x1], $0xffff  }
0x1b8: {  	v10 =	vld.idx.msk [tilespmem:v6+s12+$0x4060 ss:$0x1], $0xffff  }
0x1b9: {  	v11 =	vld.idx.msk [tilespmem:v7+s12+$0x4070 ss:$0x1], $0xffff  }
0x1ba: {  	v12 =	vld.idx.msk [tilespmem:v6+s12+$0x4070 ss:$0x1], $0xffff  }
0x1bb: {  	v13 =	vld.idx.msk [tilespmem:v5+s12+$0x4000 ss:$0x1], $0xffff  }
0x1bc: {  	v14 =	vld.idx.msk [tilespmem:v5+s12+$0x4010 ss:$0x1], $0xffff  }
0x1bd: {  	v15 =	vld.idx.msk [tilespmem:v7+s12+$0x4040 ss:$0x1], $0xffff  }
0x1be: {  	v16 =	vld.idx.msk [tilespmem:v6+s12+$0x4040 ss:$0x1], $0xffff  }
0x1bf: {  	v17 =	vld.idx.msk [tilespmem:v7+s12+$0x4050 ss:$0x1], $0xffff  }
0x1c0: {  	v18 =	vld.idx.msk [tilespmem:v6+s12+$0x4050 ss:$0x1], $0xffff  }
0x1c1: {  	v19 =	vld.idx.msk [tilespmem:v7+s12+$0x4000 ss:$0x1], $0xffff  }
0x1c2: {  	v20 =	vld.idx.msk [tilespmem:v6+s12+$0x4000 ss:$0x1], $0xffff  }
0x1c3: {  	v21 =	vld.idx.msk [tilespmem:v7+s12+$0x4010 ss:$0x1], $0xffff  }
0x1c4: {  	v22 =	vld.idx.msk [tilespmem:v6+s12+$0x4010 ss:$0x1], $0xffff  }
0x1c5: {  	v23 =	vld.idx.msk [tilespmem:v7+s12+$0x4020 ss:$0x1], $0xffff  }
0x1c6: {  	v24 =	vld.idx.msk [tilespmem:v6+s12+$0x4020 ss:$0x1], $0xffff  }
0x1c7: {  	v25 =	vld.idx.msk [tilespmem:v7+s12+$0x4030 ss:$0x1], $0xffff  }
0x1c8: {  	v26 =	vld.idx.msk [tilespmem:v6+s12+$0x4030 ss:$0x1], $0xffff  }
0x1c9: {  	v27 =	vld.idx.msk [tilespmem:v5+s12+$0x4020 ss:$0x1], $0xffff  }
0x1ca: {  	v28 =	vld.idx.msk [tilespmem:v5+s12+$0x4030 ss:$0x1], $0xffff  }
0x1cb: {  	v29 =	vld.idx.msk [tilespmem:v5+s12+$0x4050 ss:$0x1], $0xffff  }
0x1cc: {  	v30 =	vld.idx.msk [tilespmem:v5+s12+$0x4060 ss:$0x1], $0xffff  }
0x1cd: {  	s13 =	simm.s32 $0x80;
	v31 =	vld.idx.msk [tilespmem:v5+s12+$0x4070 ss:$0x1], $0xffff  }
0x1ce: {  	v32 =	vld.idx.msk [tilespmem:v5+s13+$0x4040 ss:$0x1], $0xffff  }
0x1cf: {  	v33 =	vld.idx.msk [tilespmem:v7+s13+$0x4060 ss:$0x1], $0xffff  }
0x1d0: {  	v34 =	vld.idx.msk [tilespmem:v6+s13+$0x4060 ss:$0x1], $0xffff  }
0x1d1: {  	v35 =	vld.idx.msk [tilespmem:v7+s13+$0x4070 ss:$0x1], $0xffff  }
0x1d2: {  	v36 =	vld.idx.msk [tilespmem:v6+s13+$0x4070 ss:$0x1], $0xffff  }
0x1d3: {  	v9 =	vmul.f32 v10, v9;
	v10 =	vmul.f32 v16, v15;
	v16 =	vld.idx.msk [tilespmem:v5+s13+$0x4000 ss:$0x1], $0xffff  }
0x1d4: {  	v15 =	vmul.f32 v20, v19;
	v19 =	vld.idx.msk [tilespmem:v5+s13+$0x4010 ss:$0x1], $0xffff  }
0x1d5: {  	v17 =	vmul.f32 v18, v17;
	v18 =	vmul.f32 v22, v21;
	v22 =	vld.idx.msk [tilespmem:v7+s13+$0x4040 ss:$0x1], $0xffff  }
0x1d6: {  	v20 =	vmul.f32 v24, v23;
	v21 =	vmul.f32 v26, v25;
	v23 =	vld.idx.msk [tilespmem:v6+s13+$0x4030 ss:$0x1], $0xffff  }
0x1d7: {  	v13 =	vmul.f32 v13, v15;
	v14 =	vmul.f32 v14, v18;
	v15 =	vld.idx.msk [tilespmem:v6+s13+$0x4040 ss:$0x1], $0xffff  }
0x1d8: {  	v18 =	vmul.f32 v27, v20;
	v20 =	vmul.f32 v28, v21;
	v21 =	vld.idx.msk [tilespmem:v7+s13+$0x4050 ss:$0x1], $0xffff  }
0x1d9: {  	v8 =	vmul.f32 v8, v10;
	v10 =	vld.idx.msk [tilespmem:v6+s13+$0x4050 ss:$0x1], $0xffff  }
0x1da: {  	v11 =	vmul.f32 v12, v11;
	v12 =	vmul.f32 v29, v17;
	v17 =	vld.idx.msk [tilespmem:v7+s13+$0x4000 ss:$0x1], $0xffff  }
0x1db: {  	v28 =	vld.idx.msk [tilespmem:v5+s13+$0x4060 ss:$0x1], $0xffff  }
0x1dc: {  	v13 =	vadd.f32 v18, v13;
	v14 =	vadd.f32 v20, v14;
	v18 =	vld.idx.msk [tilespmem:v6+s13+$0x4000 ss:$0x1], $0xffff  }
0x1dd: {  	v9 =	vmul.f32 v30, v9;
	v20 =	vld.idx.msk [tilespmem:v7+s13+$0x4030 ss:$0x1], $0xffff  }
0x1de: {  	v11 =	vmul.f32 v31, v11;
	v8 =	vadd.f32 v8, v13;
	v12 =	vadd.f32 v12, v14;
	v13 =	vld.idx.msk [tilespmem:v7+s13+$0x4010 ss:$0x1], $0xffff  }
0x1df: {  	v14 =	vld.idx.msk [tilespmem:v6+s13+$0x4010 ss:$0x1], $0xffff  }
0x1e0: {  	v8 =	vadd.f32 v9, v8;
	v9 =	vadd.f32 v11, v12;
	v11 =	vld.idx.msk [tilespmem:v7+s13+$0x4020 ss:$0x1], $0xffff  }
0x1e1: {  	v12 =	vld.idx.msk [tilespmem:v6+s13+$0x4020 ss:$0x1], $0xffff  }
0x1e2: {  	v25 =	vld.idx.msk [tilespmem:v5+s13+$0x4030 ss:$0x1], $0xffff;
	v27 =	vmul.f32 v34, v33;
	v22 =	vmul.f32 v15, v22  }
0x1e3: {  	v24 =	vld.idx.msk [tilespmem:v5+s13+$0x4020 ss:$0x1], $0xffff;
	v15 =	vmul.f32 v18, v17;
	v18 =	vmul.f32 v10, v21  }
0x1e4: {  	v26 =	vld.idx.msk [tilespmem:v5+s13+$0x4050 ss:$0x1], $0xffff;
	v21 =	vmul.f32 v32, v22;
	v22 =	vmul.f32 v28, v27;
	v8 =	vadd.f32 v9, v8  }
0x1e5: {  	s12 =	simm.s32 $0x100;
	v17 =	vld.idx.msk [tilespmem:v5+s13+$0x4070 ss:$0x1], $0xffff;
	v10 =	vmul.f32 v14, v13;
	v13 =	vmul.f32 v23, v20  }
0x1e6: {  	v27 =	vmov s7;
	v28 =	vld.idx.msk [tilespmem:v7+s12+$0x4030 ss:$0x1], $0xffff;
	v9 =	vperm.xlane v8, v0;
	v11 =	vmul.f32 v12, v11  }
0x1e7: {  	vm0 =	veq.s32 v27, v4;
	v27 =	vld.idx.msk [tilespmem:v6+s12+$0x4020 ss:$0x1], $0xffff;
	v19 =	vmul.f32 v19, v10;
	v13 =	vmul.f32 v25, v13  }
0x1e8: {  	v16 =	vmul.f32 v16, v15;
	v15 =	vld.idx.msk [tilespmem:v6+s12+$0x4060 ss:$0x1], $0xffff;
	v8 =	vadd.f32 v8, v9;
	v11 =	vmul.f32 v24, v11  }
0x1e9: {  	v14 =	vld.idx.msk [tilespmem:v6+s12+$0x4070 ss:$0x1], $0xffff;
	v18 =	vmul.f32 v26, v18;
	v19 =	vadd.f32 v13, v19  }
0x1ea: {  	v20 =	vmul.f32 v36, v35;
	v23 =	vld.idx.msk [tilespmem:v6+s12+$0x4000 ss:$0x1], $0xffff;
	v29 =	vperm.xlane v8, v1;
	v16 =	vadd.f32 v11, v16  }
0x1eb: {  	v12 =	vld.idx.msk [tilespmem:v7+s12+$0x4060 ss:$0x1], $0xffff;
	v18 =	vadd.f32 v18, v19  }
0x1ec: {  	v10 =	vld.idx.msk [tilespmem:v7+s12+$0x4070 ss:$0x1], $0xffff;
	v19 =	vmul.f32 v17, v20;
	v8 =	vadd.f32 v8, v29;
	v21 =	vadd.f32 v21, v16  }
0x1ed: {  	v9 =	vld.idx.msk [tilespmem:v5+s12+$0x4040 ss:$0x1], $0xffff  }
0x1ee: {  	v13 =	vld.idx.msk [tilespmem:v5+s12+$0x4010 ss:$0x1], $0xffff;
	v20 =	vperm.xlane v8, v2;
	v21 =	vadd.f32 v22, v21;
	v22 =	vadd.f32 v19, v18  }
0x1ef: {  	v24 =	vld.idx.msk [tilespmem:v6+s12+$0x4010 ss:$0x1], $0xffff  }
0x1f0: {  	v11 =	vld.idx.msk [tilespmem:v5+s12+$0x4000 ss:$0x1], $0xffff;
	v8 =	vadd.f32 v8, v20;
	v21 =	vadd.f32 v22, v21  }
0x1f1: {  	v17 =	vld.idx.msk [tilespmem:v6+s12+$0x4040 ss:$0x1], $0xffff  }
0x1f2: {  	v16 =	vld.idx.msk [tilespmem:v7+s12+$0x4040 ss:$0x1], $0xffff;
	v25 =	vperm.xlane v8, v3;
	v26 =	vperm.xlane v21, v0  }
0x1f3: {  	v18 =	vld.idx.msk [tilespmem:v7+s12+$0x4050 ss:$0x1], $0xffff  }
0x1f4: {  	v19 =	vld.idx.msk [tilespmem:v6+s12+$0x4050 ss:$0x1], $0xffff;
	v8 =	vadd.f32 v8, v25;
	v21 =	vadd.f32 v21, v26  }
0x1f5: {  	v20 =	vld.idx.msk [tilespmem:v7+s12+$0x4000 ss:$0x1], $0xffff;
	v26 =	vimm.f32 $0.0e+00  }
0x1f6: {  	v22 =	vld.idx.msk [tilespmem:v7+s12+$0x4010 ss:$0x1], $0xffff;
	v8 =	vsel vm0, v8, v26;
	v26 =	vperm.xlane v21, v1  }
0x1f7: {  	s15 =	simm.s32 $0x600;
	s14 =	simm.s32 $0x0;
	s13 =	sshll.u32 s11, $0x4;
	v25 =	vld.idx.msk [tilespmem:v7+s12+$0x4020 ss:$0x1], $0xffff  }
.LBB2_15:
0x1f8: {  	p1 =	sne.s32 s15, $0x1E00;
	v29 =	vld.idx.msk [tilespmem:v6+s12+$0x4030 ss:$0x1], $0xffff;
	v21 =	vadd.f32 v21, v26  }
0x1f9: {  	v26 =	vld.idx.msk [tilespmem:v5+s12+$0x4020 ss:$0x1], $0xffff  }
0x1fa: {  	v31 =	vmul.f32 v15, v12;
	v30 =	vld.idx.msk [tilespmem:v5+s12+$0x4030 ss:$0x1], $0xffff;
	v12 =	vperm.xlane v21, v2  }
0x1fb: {  	v16 =	vmul.f32 v17, v16;
	v32 =	vmul.f32 v14, v10;
	v17 =	vld.idx.msk [tilespmem:v5+s12+$0x4050 ss:$0x1], $0xffff  }
0x1fc: {  	v10 =	vmul.f32 v23, v20;
	v14 =	vmul.f32 v19, v18;
	v18 =	vld.idx.msk [tilespmem:v5+s12+$0x4060 ss:$0x1], $0xffff;
	v19 =	vadd.f32 v21, v12  }
0x1fd: {  	v15 =	vmul.f32 v24, v22;
	v20 =	vmul.f32 v27, v25;
	v21 =	vld.idx.msk [tilespmem:v5+s12+$0x4070 ss:$0x1], $0xffff;
	s12 =	sshra.s32 s15, $0x2  }
0x1fe: {  	s14 =	sadd.s32 $0x1, s14;
	v23 =	vmul.f32 v29, v28;
	v22 =	vld.idx.msk [tilespmem:v5+s12+$0x4040 ss:$0x1], $0xffff;
	v24 =	vperm.xlane v19, v3  }
0x1ff: {  	v11 =	vmul.f32 v11, v10;
	v13 =	vmul.f32 v13, v15;
	v25 =	vmov s14;
	v12 =	vld.idx.msk [tilespmem:v7+s12+$0x4060 ss:$0x1], $0xffff  }
0x200: {  	v20 =	vmul.f32 v26, v20;
	v23 =	vmul.f32 v30, v23;
	v15 =	vld.idx.msk [tilespmem:v6+s12+$0x4060 ss:$0x1], $0xffff;
	v19 =	vadd.f32 v19, v24  }
0x201: {  	v9 =	vmul.f32 v9, v16;
	vm0 =	veq.s32 v25, v4;
	v16 =	vmul.f32 v17, v14;
	v10 =	vld.idx.msk [tilespmem:v7+s12+$0x4070 ss:$0x1], $0xffff  }
0x202: {  	v17 =	vadd.f32 v20, v11;
	v20 =	vadd.f32 v23, v13;
	v14 =	vld.idx.msk [tilespmem:v6+s12+$0x4070 ss:$0x1], $0xffff;
	v8 =	vsel vm0, v19, v8  }
0x203: {  	v18 =	vmul.f32 v18, v31;
	v11 =	vld.idx.msk [tilespmem:v5+s12+$0x4000 ss:$0x1], $0xffff  }
0x204: {  	v19 =	vadd.f32 v9, v17;
	v21 =	vmul.f32 v21, v32;
	v20 =	vadd.f32 v16, v20;
	v13 =	vld.idx.msk [tilespmem:v5+s12+$0x4010 ss:$0x1], $0xffff  }
0x205: {  	v9 =	vmov v22;
	v16 =	vld.idx.msk [tilespmem:v7+s12+$0x4040 ss:$0x1], $0xffff  }
0x206: {  	v22 =	vadd.f32 v18, v19;
	v20 =	vadd.f32 v21, v20;
	v17 =	vld.idx.msk [tilespmem:v6+s12+$0x4040 ss:$0x1], $0xffff  }
0x207: {  	v18 =	vld.idx.msk [tilespmem:v7+s12+$0x4050 ss:$0x1], $0xffff  }
0x208: {  	v21 =	vadd.f32 v20, v22;
	v19 =	vld.idx.msk [tilespmem:v6+s12+$0x4050 ss:$0x1], $0xffff  }
0x209: {  	v20 =	vld.idx.msk [tilespmem:v7+s12+$0x4000 ss:$0x1], $0xffff  }
0x20a: {  	v25 =	vperm.xlane v21, v0;
	v23 =	vld.idx.msk [tilespmem:v6+s12+$0x4000 ss:$0x1], $0xffff  }
.Ltmp6:
0x20b: {  	v22 =	vld.idx.msk [tilespmem:v7+s12+$0x4010 ss:$0x1], $0xffff;
	(pc) =	sbr.rel @p1 .LBB2_15-.Ltmp6, $4  }
0x20c: {  	v21 =	vadd.f32 v21, v25;
	v24 =	vld.idx.msk [tilespmem:v6+s12+$0x4010 ss:$0x1], $0xffff  }
0x20d: {  	v25 =	vld.idx.msk [tilespmem:v7+s12+$0x4020 ss:$0x1], $0xffff  }
0x20e: {  	v26 =	vperm.xlane v21, v1;
	v27 =	vld.idx.msk [tilespmem:v6+s12+$0x4020 ss:$0x1], $0xffff  }
0x20f: {  	s15 =	sadd.s32 $0x200, s15;
	v28 =	vld.idx.msk [tilespmem:v7+s12+$0x4030 ss:$0x1], $0xffff  }
0x210: {  	_ =	sdelay $0x3  }
0x211: {  	v6 =	vld.idx.msk [tilespmem:v6+s12+$0x4030 ss:$0x1], $0xffff  }
0x212: {  	v7 =	vld.idx.msk [tilespmem:v5+s12+$0x4020 ss:$0x1], $0xffff  }
0x213: {  	v12 =	vmul.f32 v15, v12;
	v54 =	vld.idx.msk [tilespmem:v5+s12+$0x4030 ss:$0x1], $0xffff  }
0x214: {  	v16 =	vmul.f32 v17, v16;
	v55 =	vmul.f32 v23, v20  }
0x215: {  	v56 =	vld.idx.msk [tilespmem:v5+s12+$0x4050 ss:$0x1], $0xffff;
	v18 =	vmul.f32 v19, v18;
	v57 =	vmul.f32 v24, v22  }
0x216: {  	v58 =	vld.idx.msk [tilespmem:v5+s12+$0x4060 ss:$0x1], $0xffff;
	v59 =	vmul.f32 v27, v25;
	v6 =	vmul.f32 v6, v28  }
0x217: {  	v5 =	vld.idx.msk [tilespmem:v5+s12+$0x4070 ss:$0x1], $0xffff;
	v11 =	vmul.f32 v11, v55;
	v13 =	vmul.f32 v13, v57  }
0x218: {  	v7 =	vmul.f32 v7, v59;
	v6 =	vmul.f32 v54, v6  }
0x219: {  	v10 =	vmul.f32 v14, v10;
	v9 =	vmul.f32 v9, v16  }
0x21a: {  	v60 =	vmul.f32 v56, v18;
	v7 =	vadd.f32 v7, v11;
	v6 =	vadd.f32 v6, v13  }
0x21b: {  	v61 =	vmul.f32 v58, v12  }
0x21c: {  	v5 =	vmul.f32 v5, v10;
	v7 =	vadd.f32 v9, v7;
	v6 =	vadd.f32 v60, v6;
	_ =	sdelay $0x1  }
0x21d: {  	v7 =	vadd.f32 v61, v7;
	v5 =	vadd.f32 v5, v6;
	_ =	sdelay $0x1  }
0x21e: {  	v5 =	vadd.f32 v5, v7;
	_ =	sdelay $0x1  }
0x21f: {  	v6 =	vperm.xlane v5, v0;
	_ =	sdelay $0x1  }
0x220: {  	v5 =	vadd.f32 v5, v6;
	_ =	sdelay $0x1  }
0x221: {  	v6 =	vperm.xlane v5, v1  }
0x222: {  	v7 =	vadd.f32 v21, v26  }
0x223: {  	v5 =	vadd.f32 v5, v6  }
0x224: {  	v6 =	vperm.xlane v7, v2  }
0x225: {  	v62 =	vperm.xlane v5, v2  }
0x226: {  	v6 =	vadd.f32 v7, v6  }
0x227: {  	v5 =	vadd.f32 v5, v62  }
0x228: {  	s11 =	sadd.s32 $0x1, s11;
	v7 =	vperm.xlane v6, v3  }
0x229: {  	s17 =	sadd.s32 $0x1, s14;
	p1 =	sne.s32 s11, $0x8;
	v9 =	vperm.xlane v5, v3  }
.Ltmp7:
0x22a: {  	v63 =	vmov s17;
	s12 =	sadd.s32 $0x1, s17;
	v6 =	vadd.f32 v6, v7;
	(pc) =	sbr.rel @p1 .LBB2_14-.Ltmp7, $4  }
0x22b: {  	vm0 =	veq.s32 v63, v4;
	v7 =	vmov s12;
	v5 =	vadd.f32 v5, v9  }
0x22c: {  	vm15 =	veq.s32 v7, v4;
	v6 =	vsel vm0, v6, v8  }
0x22d: {  	v5 =	vsel vm15, v5, v6  }
0x22e: {  	s8 =	sadd.s32 $0x800, s8;
	s9 =	sadd.s32 $0x800, s9;
	s10 =	sadd.s32 $0x800, s10;
	[tilespmem:s13+$0x18280] =	vst v5  }
0x22f: {  	s6 =	sadd.s32 $0x1, s6  }
0x230: {  	p1 =	sne.s32 s6, s19  }
.Ltmp8:
0x231: {  	_ = 	snop;
	(pc) =	sbr.rel @p1 .LBB2_1-.Ltmp8, $4  }
0x232: {  	[hbm4b:s18+s3] =	stream.linear.scatter [tilespmem:s5], [sflag:$0x7], $0x80, $0x38;
	[tilespmem:$0x1A240] =	vst v63  }
0x233: {  	_ =	swait.ge [sflag:s22], $0x80  }
0x234: {  	[sflag:s22] =	ssyncset.done $0x0  }
0x235: {  	[sflag:s22] =	ssyncadd.s32 $0xFFFFFF80  }
0x236: {  	_ =	sfence.sel $0x180000  }
0x237: {  	[bflag:$0x0] =	sbarrier.arrive $0xFFFF  }
0x238: {  	_ =	strace $0x90000047  }
0x239: {  	s0 =	stileid.u32;
	[bflag:$0x2] =	sbarrier.arrive $0xFFFF  }
0x23a: {  	p0 =	sne.s32 s0, $0x0;
	s0 =	rddreg [dreg:$0x6]  }
0x23b: {  	s0 =	sadd.s32 @!p0 $0x100000, s0  }
0x23c: {  	[sflag:s0] =	ssyncadd.tile.s32 @!p0 $0x1;
	_ =	shalt  }
.Lfunc_end2:
_tile_overlayer_lowered:
.L_overlay_start_2:
0x23d: {  	(tag) =	ssettag $0x2  }
0x23e: {  	s0 =	rddreg [dreg:$0x0];
	s2 =	stileid.u32  }
0x23f: {  	s1 =	rddreg [dreg:$0x1];
	p0 =	sne.s32 s2, $0x0  }
0x240: {  	s3 =	rddreg [dreg:$0x2];
	[bflag:$0x3] =	sbarrier.arrive $0xFFFF;
	s2 =	simm.s32 @!p0 $0x1C07  }
0x241: {  	[timem:s3], [sflag:s2] =	dma.local @!p0 [hbm:s0], s1  }
0x242: {  	s0 =	simm.s32 @!p0 $0x7  }
0x243: {  	_ =	swait.ge @!p0 [sflag:s0], s1  }
0x244: {  	s1 =	ssub.s32 @!p0 $0x0, s1;
	[sflag:s0] =	ssyncset.done @!p0 $0x0  }
0x245: {  	[sflag:s0] =	ssyncadd.s32 @!p0 s1  }
0x246: {  	[bflag:$0x3] =	sbarrier.arrive $0xFFFF  }
0x247: {  	_ =	shalt  }

</sc_bundles>
